<compile_context>
chip_gen: v7x
topology: tpu7x:2x2x1
jax: 0.10.2.dev20260603
libtpu: 0.0.44.dev20260713+nightly
codegen_flags: <defaults>
</compile_context>

<pallas_src>
import functools

import jax
import jax.numpy as jnp
from jax import lax
from jax.experimental import pallas as pl
from jax.experimental.pallas import tpu as pltpu
from jax.experimental.pallas import tpu_sc as plsc

N = 10000
K = 32
C_IN = 128
C_ADD = 16
C_MID = 16
C_TOT = C_IN + C_ADD

_NC, _NS = 2, 16
_NW = _NC * _NS
_ROWS = N * K
_ROWS_PER_W = _ROWS // _NW
_CHUNK = 80
_NCHUNK = _ROWS_PER_W // _CHUNK


def _sc_gather_body(table_hbm, idx_hbm, out_hbm,
                    idx_all, rows0, rows1, sem0, sem1):
    wid = lax.axis_index("s") * _NC + lax.axis_index("c")
    base = wid * _ROWS_PER_W
    rows = (rows0, rows1)
    sems = (sem0, sem1)
    pltpu.sync_copy(idx_hbm.at[pl.ds(base, _ROWS_PER_W)], idx_all)

    def _start(j, b):
        idx_sl = idx_all.at[pl.ds(j * _CHUNK, _CHUNK)]
        pltpu.async_copy(table_hbm.at[idx_sl], rows[b], sems[b])

    for b in range(2):
        _start(b, b)

    def body(i, carry):
        for b in range(2):
            j = 2 * i + b
            pltpu.make_async_copy(table_hbm.at[pl.ds(0, _CHUNK)],
                                  rows[b], sems[b]).wait()
            pltpu.sync_copy(rows[b], out_hbm.at[pl.ds(base + j * _CHUNK, _CHUNK)])

            @pl.when(j + 2 < _NCHUNK)
            def _():
                _start(j + 2, b)
        return carry

    lax.fori_loop(0, _NCHUNK // 2, body, 0)
    j_last = _NCHUNK - 1
    pltpu.make_async_copy(table_hbm.at[pl.ds(0, _CHUNK)],
                          rows[j_last % 2], sems[j_last % 2]).wait()
    pltpu.sync_copy(rows[j_last % 2],
                    out_hbm.at[pl.ds(base + j_last * _CHUNK, _CHUNK)])


def _sc_gather(table, idx_flat):
    mesh = plsc.VectorSubcoreMesh(core_axis_name="c", subcore_axis_name="s")
    fn = functools.partial(
        pl.kernel,
        out_type=jax.ShapeDtypeStruct((_ROWS, C_IN), jnp.float32),
        mesh=mesh,
        scratch_types=[
            pltpu.VMEM((_ROWS_PER_W,), jnp.int32),
            pltpu.VMEM((_CHUNK, C_IN), jnp.float32),
            pltpu.VMEM((_CHUNK, C_IN), jnp.float32),
            pltpu.SemaphoreType.DMA,
            pltpu.SemaphoreType.DMA,
        ],
    )(_sc_gather_body)
    return fn(table, idx_flat)


_PB = 80


def _tc_body(g_ref, w_ref, a_ref, o_ref):
    w = w_ref[...]
    r1 = lax.dot_general(w, g_ref[...], (((1,), (1,)), ((0,), (0,))),
                         preferred_element_type=jnp.float32)
    r2 = lax.dot_general(w, a_ref[...], (((1,), (1,)), ((0,), (0,))),
                         preferred_element_type=jnp.float32)
    o_ref[:, :, 0:C_IN] = r1
    o_ref[:, :, C_IN:C_TOT] = r2


_NCH = 25
_NH = N // _NCH


def _tc_compute(gathered, weightnet, additional, h):
    grid = _NH // _PB
    off = h * (_NH // _PB)
    return pl.pallas_call(
        _tc_body,
        grid=(grid,),
        in_specs=[
            pl.BlockSpec((_PB, K, C_IN), lambda i: (i + off, 0, 0)),
            pl.BlockSpec((_PB, K, C_MID), lambda i: (i + off, 0, 0)),
            pl.BlockSpec((_PB, K, C_ADD), lambda i: (i + off, 0, 0)),
        ],
        out_specs=pl.BlockSpec((_PB, C_MID, C_TOT), lambda i: (i, 0, 0)),
        out_shape=jax.ShapeDtypeStruct((_NH, C_MID, C_TOT), jnp.float32),
    )(gathered, weightnet, additional)


def kernel(input_features, neighbor_inds, weightnet, additional_features):
    table = input_features[0]
    idx_flat = neighbor_inds[0].astype(jnp.int32).reshape(_ROWS)
    gathered = _sc_gather(table, idx_flat).reshape(N, K, C_IN)
    parts = []
    for h in range(_NCH):
        out3 = _tc_compute(gathered, weightnet[0], additional_features[0], h)
        y = lax.optimization_barrier(jnp.transpose(out3, (2, 1, 0)))
        parts.append(y.reshape(C_TOT * C_MID, _NH).T)
    out = jnp.concatenate(parts, axis=0)
    return out.reshape(1, N, C_TOT * C_MID)

# --- scband reference (transcript-rebuilt; emitter-appended) ---
"""Pipeline reference for scband-pconv-9165460209718 (READ-ONLY COPY).

The authoritative reference and input builder live on the scoring server;
editing this copy changes nothing except your own understanding.
"""

import jax, jax.numpy as jnp
import numpy as np


def setup_inputs(seed: int = 0) -> dict:
    key = jax.random.key(seed)
    k1, k2, k3, k4 = jax.random.split(key, 4)
    B, N, K = 1, 10000, 32
    C_in, C_add, C_mid = 128, 16, 16
    input_features = jax.random.normal(k1, (B, N, C_in), dtype=jnp.float32)
    neighbor_inds = jax.random.randint(k2, (B, N, K), 0, N, dtype=jnp.int64)
    weightnet = jax.random.normal(k3, (B, N, K, C_mid), dtype=jnp.float32)
    additional_features = jax.random.normal(k4, (B, N, K, C_add), dtype=jnp.float32)
    return {
        "input_features": input_features,
        "neighbor_inds": neighbor_inds,
        "weightnet": weightnet,
        "additional_features": additional_features,
    }


def reference(input_features, neighbor_inds, weightnet, additional_features):
    # PConv (PointConvFormer fused pconv_forward):
    # 1) gather neighbor features per point: [B, N, K, C_in]
    # 2) concat additional (e.g. viewpoint-invariant) features: [B, N, K, C_in + C_add]
    # 3) per-point matmul with weightnet over the K axis:
    #    out[b, n] = feat[b, n]^T @ weightnet[b, n] flattened -> [(C_in+C_add) * C_mid]
    B, N, C_in = input_features.shape
    gathered = jax.vmap(lambda feat, idx: jnp.take(feat, idx, axis=0))(
        input_features, neighbor_inds
    )  # [B, N, K, C_in]
    feat = jnp.concatenate([gathered, additional_features], axis=-1)  # [B, N, K, C_in+C_add]
    out = jnp.einsum("bnkc,bnkm->bncm", feat, weightnet)  # [B, N, C_in+C_add, C_mid]
    return out.reshape(B, N, -1)

if __name__ == "__main__":
    import jax
    _d = setup_inputs()
    print(jax.jit(kernel)(*tuple(_d.values())))

</pallas_src>

<mosaic_0001>
#map = affine_map<(d0, d1) -> (0, 0)>
#map1 = affine_map<(d0, d1) -> (0)>
module attributes {stable_mosaic.version = 14 : i64} {
  func.func @_sc_gather_body(%arg0: i32, %arg1: i32, %arg2: memref<10000x128xf32, #tpu.memory_space<hbm>>, %arg3: memref<320000xi32, #tpu.memory_space<hbm>>, %arg4: memref<320000x128xf32, #tpu.memory_space<hbm>>, %arg5: memref<10000xi32, #tpu.memory_space<vmem>>, %arg6: memref<80x128xf32, #tpu.memory_space<vmem>>, %arg7: memref<80x128xf32, #tpu.memory_space<vmem>>, %arg8: memref<!tpu.dma_semaphore, #tpu.memory_space<semaphore_mem>>, %arg9: memref<!tpu.dma_semaphore, #tpu.memory_space<semaphore_mem>>) attributes {dimension_semantics = [#tpu.dimension_semantics<core_parallel>, #tpu.dimension_semantics<subcore_parallel>], iteration_bounds = array<i64: 2, 16>, scalar_prefetch = 0 : i64, scratch_operands = 5 : i64, tpu.core_type = #tpu.core_type<sc_vector_subcore>, window_params = [{transform_indices = #map}, {transform_indices = #map1}, {transform_indices = #map}]} {
    %mul3A = arith.constant 2 : i32
    %mul3A_0 = arith.muli %arg1, %mul3A : i32
    %add3A = arith.addi %mul3A_0, %arg0 : i32
    %mul3A_1 = arith.constant 10000 : i32
    %mul3A_2 = arith.muli %add3A, %mul3A_1 : i32
    "tpu.region"() ({
      %run_scoped3A = tpu.sem_alloc : memref<!tpu.dma_semaphore, #tpu.memory_space<semaphore_mem>>
      %dma_start3A_24 = tpu.memref_slice %arg3[%mul3A_2] : memref<320000xi32, #tpu.memory_space<hbm>> -> memref<10000xi32, #tpu.memory_space<hbm>>
      %dma_start3A_25 = tpu.memref_slice %arg3[%mul3A_2] : memref<320000xi32, #tpu.memory_space<hbm>> -> memref<10000xi32, #tpu.memory_space<hbm>>
      tpu.enqueue_dma source(%dma_start3A_25 : memref<10000xi32, #tpu.memory_space<hbm>>) target(%arg5 : memref<10000xi32, #tpu.memory_space<vmem>>) target_semaphore(%run_scoped3A : memref<!tpu.dma_semaphore, #tpu.memory_space<semaphore_mem>>)
      %dma_wait3A_26 = tpu.memref_slice %arg3[%mul3A_2] : memref<320000xi32, #tpu.memory_space<hbm>> -> memref<10000xi32, #tpu.memory_space<hbm>>
      %dma_wait3A_27 = tpu.memref_slice %arg3[%mul3A_2] : memref<320000xi32, #tpu.memory_space<hbm>> -> memref<10000xi32, #tpu.memory_space<hbm>>
      tpu.wait_dma2 semaphore(%run_scoped3A : memref<!tpu.dma_semaphore, #tpu.memory_space<semaphore_mem>>) src(%dma_wait3A_27 : memref<10000xi32, #tpu.memory_space<hbm>>) dst(%arg5 : memref<10000xi32, #tpu.memory_space<vmem>>)
      tpu.yield
    }) : () -> ()
    %dma_start3A = arith.constant 0 : i32
    %dma_start3A_3 = tpu.memref_slice %arg5[%dma_start3A] : memref<10000xi32, #tpu.memory_space<vmem>> -> memref<80xi32, #tpu.memory_space<vmem>>
    %dma_start3A_4 = arith.constant 0 : i32
    %dma_start3A_5 = arith.constant 0 : i32
    %dma_start3A_6 = tpu.memref_slice %arg2[%dma_start3A_4, %dma_start3A_5] : memref<10000x128xf32, #tpu.memory_space<hbm>> -> memref<10000x128xf32, #tpu.memory_space<hbm>>
    tpu.enqueue_indirect_dma source(%dma_start3A_6 : memref<10000x128xf32, #tpu.memory_space<hbm>>) target(%arg6 : memref<80x128xf32, #tpu.memory_space<vmem>>) offsets(%dma_start3A_3 : memref<80xi32, #tpu.memory_space<vmem>>) semaphore(%arg8 : memref<!tpu.dma_semaphore, #tpu.memory_space<semaphore_mem>>)
    %dma_start3A_7 = arith.constant 80 : i32
    %dma_start3A_8 = tpu.memref_slice %arg5[%dma_start3A_7] : memref<10000xi32, #tpu.memory_space<vmem>> -> memref<80xi32, #tpu.memory_space<vmem>>
    %dma_start3A_9 = arith.constant 0 : i32
    %dma_start3A_10 = arith.constant 0 : i32
    %dma_start3A_11 = tpu.memref_slice %arg2[%dma_start3A_9, %dma_start3A_10] : memref<10000x128xf32, #tpu.memory_space<hbm>> -> memref<10000x128xf32, #tpu.memory_space<hbm>>
    tpu.enqueue_indirect_dma source(%dma_start3A_11 : memref<10000x128xf32, #tpu.memory_space<hbm>>) target(%arg7 : memref<80x128xf32, #tpu.memory_space<vmem>>) offsets(%dma_start3A_8 : memref<80xi32, #tpu.memory_space<vmem>>) semaphore(%arg9 : memref<!tpu.dma_semaphore, #tpu.memory_space<semaphore_mem>>)
    %scan3A = arith.constant 0 : i32
    %scan3A_12 = arith.constant 0 : i32
    %scan3A_13 = arith.constant 62 : i32
    %scan3A_14 = arith.addi %scan3A_12, %scan3A_13 : i32
    %scan3A_15 = arith.constant 1 : i32
    scf.for %scan3A_24 = %scan3A_12 to %scan3A_14 step %scan3A_15  : i32 {
      %mul3A_25 = arith.constant 2 : i32
      %mul3A_26 = arith.muli %mul3A_25, %scan3A_24 : i32
      %add3A_27 = arith.constant 0 : i32
      %add3A_28 = arith.addi %mul3A_26, %add3A_27 : i32
      %dma_wait3A_29 = arith.constant 0 : i32
      %dma_wait3A_30 = arith.constant 0 : i32
      %dma_wait3A_31 = tpu.memref_slice %arg2[%dma_wait3A_29, %dma_wait3A_30] : memref<10000x128xf32, #tpu.memory_space<hbm>> -> memref<80x128xf32, #tpu.memory_space<hbm>>
      %dma_wait3A_32 = arith.constant 0 : i32
      %dma_wait3A_33 = arith.constant 0 : i32
      %dma_wait3A_34 = tpu.memref_slice %arg2[%dma_wait3A_32, %dma_wait3A_33] : memref<10000x128xf32, #tpu.memory_space<hbm>> -> memref<80x128xf32, #tpu.memory_space<hbm>>
      tpu.wait_dma2 semaphore(%arg8 : memref<!tpu.dma_semaphore, #tpu.memory_space<semaphore_mem>>) src(%dma_wait3A_34 : memref<80x128xf32, #tpu.memory_space<hbm>>) dst(%arg6 : memref<80x128xf32, #tpu.memory_space<vmem>>)
      %mul3A_35 = arith.constant 80 : i32
      %mul3A_36 = arith.muli %add3A_28, %mul3A_35 : i32
      %add3A_37 = arith.addi %mul3A_2, %mul3A_36 : i32
      "tpu.region"() ({
        %run_scoped3A = tpu.sem_alloc : memref<!tpu.dma_semaphore, #tpu.memory_space<semaphore_mem>>
        %dma_start3A_62 = arith.constant 0 : i32
        %dma_start3A_63 = tpu.memref_slice %arg4[%add3A_37, %dma_start3A_62] : memref<320000x128xf32, #tpu.memory_space<hbm>> -> memref<80x128xf32, #tpu.memory_space<hbm>>
        %dma_start3A_64 = arith.constant 0 : i32
        %dma_start3A_65 = tpu.memref_slice %arg4[%add3A_37, %dma_start3A_64] : memref<320000x128xf32, #tpu.memory_space<hbm>> -> memref<80x128xf32, #tpu.memory_space<hbm>>
        tpu.enqueue_dma source(%arg6 : memref<80x128xf32, #tpu.memory_space<vmem>>) target(%dma_start3A_65 : memref<80x128xf32, #tpu.memory_space<hbm>>) target_semaphore(%run_scoped3A : memref<!tpu.dma_semaphore, #tpu.memory_space<semaphore_mem>>)
        %dma_wait3A_66 = arith.constant 0 : i32
        %dma_wait3A_67 = tpu.memref_slice %arg4[%add3A_37, %dma_wait3A_66] : memref<320000x128xf32, #tpu.memory_space<hbm>> -> memref<80x128xf32, #tpu.memory_space<hbm>>
        %dma_wait3A_68 = arith.constant 0 : i32
        %dma_wait3A_69 = tpu.memref_slice %arg4[%add3A_37, %dma_wait3A_68] : memref<320000x128xf32, #tpu.memory_space<hbm>> -> memref<80x128xf32, #tpu.memory_space<hbm>>
        tpu.wait_dma2 semaphore(%run_scoped3A : memref<!tpu.dma_semaphore, #tpu.memory_space<semaphore_mem>>) src(%arg6 : memref<80x128xf32, #tpu.memory_space<vmem>>) dst(%dma_wait3A_69 : memref<80x128xf32, #tpu.memory_space<hbm>>)
        tpu.yield
      }) : () -> ()
      %add3A_38 = arith.constant 2 : i32
      %add3A_39 = arith.addi %add3A_28, %add3A_38 : i32
      %lt3A = arith.constant 125 : i32
      %lt3A_40 = arith.cmpi slt, %add3A_39, %lt3A : i32
      %convert_element_type3A = arith.extui %lt3A_40 : i1 to i32
      %cond3A = arith.constant 0 : i32
      %cond3A_41 = arith.cmpi ne, %convert_element_type3A, %cond3A : i32
      scf.if %cond3A_41 {
        %add3A_62 = arith.constant 2 : i32
        %add3A_63 = arith.addi %add3A_28, %add3A_62 : i32
        %mul3A_64 = arith.constant 80 : i32
        %mul3A_65 = arith.muli %add3A_63, %mul3A_64 : i32
        %dma_start3A_66 = tpu.memref_slice %arg5[%mul3A_65] : memref<10000xi32, #tpu.memory_space<vmem>> -> memref<80xi32, #tpu.memory_space<vmem>>
        %dma_start3A_67 = arith.constant 0 : i32
        %dma_start3A_68 = arith.constant 0 : i32
        %dma_start3A_69 = tpu.memref_slice %arg2[%dma_start3A_67, %dma_start3A_68] : memref<10000x128xf32, #tpu.memory_space<hbm>> -> memref<10000x128xf32, #tpu.memory_space<hbm>>
        tpu.enqueue_indirect_dma source(%dma_start3A_69 : memref<10000x128xf32, #tpu.memory_space<hbm>>) target(%arg6 : memref<80x128xf32, #tpu.memory_space<vmem>>) offsets(%dma_start3A_66 : memref<80xi32, #tpu.memory_space<vmem>>) semaphore(%arg8 : memref<!tpu.dma_semaphore, #tpu.memory_space<semaphore_mem>>)
      } else {
      }
      %mul3A_42 = arith.constant 2 : i32
      %mul3A_43 = arith.muli %mul3A_42, %scan3A_24 : i32
      %add3A_44 = arith.constant 1 : i32
      %add3A_45 = arith.addi %mul3A_43, %add3A_44 : i32
      %dma_wait3A_46 = arith.constant 0 : i32
      %dma_wait3A_47 = arith.constant 0 : i32
      %dma_wait3A_48 = tpu.memref_slice %arg2[%dma_wait3A_46, %dma_wait3A_47] : memref<10000x128xf32, #tpu.memory_space<hbm>> -> memref<80x128xf32, #tpu.memory_space<hbm>>
      %dma_wait3A_49 = arith.constant 0 : i32
      %dma_wait3A_50 = arith.constant 0 : i32
      %dma_wait3A_51 = tpu.memref_slice %arg2[%dma_wait3A_49, %dma_wait3A_50] : memref<10000x128xf32, #tpu.memory_space<hbm>> -> memref<80x128xf32, #tpu.memory_space<hbm>>
      tpu.wait_dma2 semaphore(%arg9 : memref<!tpu.dma_semaphore, #tpu.memory_space<semaphore_mem>>) src(%dma_wait3A_51 : memref<80x128xf32, #tpu.memory_space<hbm>>) dst(%arg7 : memref<80x128xf32, #tpu.memory_space<vmem>>)
      %mul3A_52 = arith.constant 80 : i32
      %mul3A_53 = arith.muli %add3A_45, %mul3A_52 : i32
      %add3A_54 = arith.addi %mul3A_2, %mul3A_53 : i32
      "tpu.region"() ({
        %run_scoped3A = tpu.sem_alloc : memref<!tpu.dma_semaphore, #tpu.memory_space<semaphore_mem>>
        %dma_start3A_62 = arith.constant 0 : i32
        %dma_start3A_63 = tpu.memref_slice %arg4[%add3A_54, %dma_start3A_62] : memref<320000x128xf32, #tpu.memory_space<hbm>> -> memref<80x128xf32, #tpu.memory_space<hbm>>
        %dma_start3A_64 = arith.constant 0 : i32
        %dma_start3A_65 = tpu.memref_slice %arg4[%add3A_54, %dma_start3A_64] : memref<320000x128xf32, #tpu.memory_space<hbm>> -> memref<80x128xf32, #tpu.memory_space<hbm>>
        tpu.enqueue_dma source(%arg7 : memref<80x128xf32, #tpu.memory_space<vmem>>) target(%dma_start3A_65 : memref<80x128xf32, #tpu.memory_space<hbm>>) target_semaphore(%run_scoped3A : memref<!tpu.dma_semaphore, #tpu.memory_space<semaphore_mem>>)
        %dma_wait3A_66 = arith.constant 0 : i32
        %dma_wait3A_67 = tpu.memref_slice %arg4[%add3A_54, %dma_wait3A_66] : memref<320000x128xf32, #tpu.memory_space<hbm>> -> memref<80x128xf32, #tpu.memory_space<hbm>>
        %dma_wait3A_68 = arith.constant 0 : i32
        %dma_wait3A_69 = tpu.memref_slice %arg4[%add3A_54, %dma_wait3A_68] : memref<320000x128xf32, #tpu.memory_space<hbm>> -> memref<80x128xf32, #tpu.memory_space<hbm>>
        tpu.wait_dma2 semaphore(%run_scoped3A : memref<!tpu.dma_semaphore, #tpu.memory_space<semaphore_mem>>) src(%arg7 : memref<80x128xf32, #tpu.memory_space<vmem>>) dst(%dma_wait3A_69 : memref<80x128xf32, #tpu.memory_space<hbm>>)
        tpu.yield
      }) : () -> ()
      %add3A_55 = arith.constant 2 : i32
      %add3A_56 = arith.addi %add3A_45, %add3A_55 : i32
      %lt3A_57 = arith.constant 125 : i32
      %lt3A_58 = arith.cmpi slt, %add3A_56, %lt3A_57 : i32
      %convert_element_type3A_59 = arith.extui %lt3A_58 : i1 to i32
      %cond3A_60 = arith.constant 0 : i32
      %cond3A_61 = arith.cmpi ne, %convert_element_type3A_59, %cond3A_60 : i32
      scf.if %cond3A_61 {
        %add3A_62 = arith.constant 2 : i32
        %add3A_63 = arith.addi %add3A_45, %add3A_62 : i32
        %mul3A_64 = arith.constant 80 : i32
        %mul3A_65 = arith.muli %add3A_63, %mul3A_64 : i32
        %dma_start3A_66 = tpu.memref_slice %arg5[%mul3A_65] : memref<10000xi32, #tpu.memory_space<vmem>> -> memref<80xi32, #tpu.memory_space<vmem>>
        %dma_start3A_67 = arith.constant 0 : i32
        %dma_start3A_68 = arith.constant 0 : i32
        %dma_start3A_69 = tpu.memref_slice %arg2[%dma_start3A_67, %dma_start3A_68] : memref<10000x128xf32, #tpu.memory_space<hbm>> -> memref<10000x128xf32, #tpu.memory_space<hbm>>
        tpu.enqueue_indirect_dma source(%dma_start3A_69 : memref<10000x128xf32, #tpu.memory_space<hbm>>) target(%arg7 : memref<80x128xf32, #tpu.memory_space<vmem>>) offsets(%dma_start3A_66 : memref<80xi32, #tpu.memory_space<vmem>>) semaphore(%arg9 : memref<!tpu.dma_semaphore, #tpu.memory_space<semaphore_mem>>)
      } else {
      }
    }
    %scan3A_16 = arith.constant 62 : i32
    %dma_wait3A = arith.constant 0 : i32
    %dma_wait3A_17 = arith.constant 0 : i32
    %dma_wait3A_18 = tpu.memref_slice %arg2[%dma_wait3A, %dma_wait3A_17] : memref<10000x128xf32, #tpu.memory_space<hbm>> -> memref<80x128xf32, #tpu.memory_space<hbm>>
    %dma_wait3A_19 = arith.constant 0 : i32
    %dma_wait3A_20 = arith.constant 0 : i32
    %dma_wait3A_21 = tpu.memref_slice %arg2[%dma_wait3A_19, %dma_wait3A_20] : memref<10000x128xf32, #tpu.memory_space<hbm>> -> memref<80x128xf32, #tpu.memory_space<hbm>>
    tpu.wait_dma2 semaphore(%arg8 : memref<!tpu.dma_semaphore, #tpu.memory_space<semaphore_mem>>) src(%dma_wait3A_21 : memref<80x128xf32, #tpu.memory_space<hbm>>) dst(%arg6 : memref<80x128xf32, #tpu.memory_space<vmem>>)
    %add3A_22 = arith.constant 9920 : i32
    %add3A_23 = arith.addi %mul3A_2, %add3A_22 : i32
    "tpu.region"() ({
      %run_scoped3A = tpu.sem_alloc : memref<!tpu.dma_semaphore, #tpu.memory_space<semaphore_mem>>
      %dma_start3A_24 = arith.constant 0 : i32
      %dma_start3A_25 = tpu.memref_slice %arg4[%add3A_23, %dma_start3A_24] : memref<320000x128xf32, #tpu.memory_space<hbm>> -> memref<80x128xf32, #tpu.memory_space<hbm>>
      %dma_start3A_26 = arith.constant 0 : i32
      %dma_start3A_27 = tpu.memref_slice %arg4[%add3A_23, %dma_start3A_26] : memref<320000x128xf32, #tpu.memory_space<hbm>> -> memref<80x128xf32, #tpu.memory_space<hbm>>
      tpu.enqueue_dma source(%arg6 : memref<80x128xf32, #tpu.memory_space<vmem>>) target(%dma_start3A_27 : memref<80x128xf32, #tpu.memory_space<hbm>>) target_semaphore(%run_scoped3A : memref<!tpu.dma_semaphore, #tpu.memory_space<semaphore_mem>>)
      %dma_wait3A_28 = arith.constant 0 : i32
      %dma_wait3A_29 = tpu.memref_slice %arg4[%add3A_23, %dma_wait3A_28] : memref<320000x128xf32, #tpu.memory_space<hbm>> -> memref<80x128xf32, #tpu.memory_space<hbm>>
      %dma_wait3A_30 = arith.constant 0 : i32
      %dma_wait3A_31 = tpu.memref_slice %arg4[%add3A_23, %dma_wait3A_30] : memref<320000x128xf32, #tpu.memory_space<hbm>> -> memref<80x128xf32, #tpu.memory_space<hbm>>
      tpu.wait_dma2 semaphore(%run_scoped3A : memref<!tpu.dma_semaphore, #tpu.memory_space<semaphore_mem>>) src(%arg6 : memref<80x128xf32, #tpu.memory_space<vmem>>) dst(%dma_wait3A_31 : memref<80x128xf32, #tpu.memory_space<hbm>>)
      tpu.yield
    }) : () -> ()
    return
  }
}

module attributes {stable_mosaic.version = 14 : i64} {
  func.func @_tc_body(%arg0: i32, %arg1: memref<80x32x128xf32, #tpu.memory_space<vmem>>, %arg2: memref<80x32x16xf32, #tpu.memory_space<vmem>>, %arg3: memref<80x32x16xf32, #tpu.memory_space<vmem>>, %arg4: memref<80x16x144xf32, #tpu.memory_space<vmem>>) attributes {dimension_semantics = [#tpu.dimension_semantics<arbitrary>], iteration_bounds = array<i64: 5>, scalar_prefetch = 0 : i64, scratch_operands = 0 : i64, tpu.core_type = #tpu.core_type<tc>, window_params = [{transform_indices = @transform_0, window_bounds = array<i64: 80, 32, 128>}, {transform_indices = @transform_1, window_bounds = array<i64: 80, 32, 16>}, {transform_indices = @transform_2, window_bounds = array<i64: 80, 32, 16>}, {transform_indices = @transform_3, window_bounds = array<i64: 80, 16, 144>}]} {
    %get3A = arith.constant 0 : index
    %get3A_0 = arith.constant 0 : index
    %get3A_1 = arith.constant 0 : index
    %get3A_2 = vector.load %arg2[%get3A, %get3A_0, %get3A_1] : memref<80x32x16xf32, #tpu.memory_space<vmem>>, vector<80x32x16xf32>
    %get3A_3 = arith.constant 0 : index
    %get3A_4 = arith.constant 0 : index
    %get3A_5 = arith.constant 0 : index
    %get3A_6 = vector.load %arg1[%get3A_3, %get3A_4, %get3A_5] : memref<80x32x128xf32, #tpu.memory_space<vmem>>, vector<80x32x128xf32>
    %dot_general3A = arith.constant dense<0.000000e+00> : vector<80x16x128xf32>
    %dot_general3A_7 = tpu.matmul %get3A_2, %get3A_6, %dot_general3A {dimension_numbers = #tpu.dot_dimension_numbers<[1], [1], [2], [2], [0, 0, 0, 2, 1, 2], [0], [0]>, transpose_lhs_hint = false} : vector<80x32x16xf32>, vector<80x32x128xf32>, vector<80x16x128xf32> -> vector<80x16x128xf32>
    %get3A_8 = arith.constant 0 : index
    %get3A_9 = arith.constant 0 : index
    %get3A_10 = arith.constant 0 : index
    %get3A_11 = vector.load %arg3[%get3A_8, %get3A_9, %get3A_10] : memref<80x32x16xf32, #tpu.memory_space<vmem>>, vector<80x32x16xf32>
    %dot_general3A_12 = arith.constant dense<0.000000e+00> : vector<80x16x16xf32>
    %dot_general3A_13 = tpu.matmul %get3A_2, %get3A_11, %dot_general3A_12 {dimension_numbers = #tpu.dot_dimension_numbers<[1], [1], [2], [2], [0, 0, 0, 2, 1, 2], [0], [0]>, transpose_lhs_hint = false} : vector<80x32x16xf32>, vector<80x32x16xf32>, vector<80x16x16xf32> -> vector<80x16x16xf32>
    %swap3A = arith.constant 0 : index
    %swap3A_14 = arith.constant 0 : index
    %swap3A_15 = arith.constant 0 : index
    %swap3A_16 = vector.load %arg4[%swap3A, %swap3A_14, %swap3A_15] : memref<80x16x144xf32, #tpu.memory_space<vmem>>, vector<80x16x128xf32>
    tpu.vector_store %arg4[%swap3A, %swap3A_14, %swap3A_15], %dot_general3A_7 {strides = array<i32>} : memref<80x16x144xf32, #tpu.memory_space<vmem>>, vector<80x16x128xf32>,
    %swap3A_17 = arith.constant 0 : index
    %swap3A_18 = arith.constant 0 : index
    %swap3A_19 = arith.constant 128 : index
    %swap3A_20 = vector.load %arg4[%swap3A_17, %swap3A_18, %swap3A_19] : memref<80x16x144xf32, #tpu.memory_space<vmem>>, vector<80x16x16xf32>
    tpu.vector_store %arg4[%swap3A_17, %swap3A_18, %swap3A_19], %dot_general3A_13 {strides = array<i32>} : memref<80x16x144xf32, #tpu.memory_space<vmem>>, vector<80x16x16xf32>,
    return
  }
  func.func @transform_0(%arg0: i32) -> (i32, i32, i32) {
    %add3A = arith.constant 10 : i32
    %add3A_0 = arith.addi %arg0, %add3A : i32
    %c0_i32 = arith.constant 0 : i32
    %c0_i32_1 = arith.constant 0 : i32
    %c0_i32_2 = arith.constant 0 : i32
    return %add3A_0, %c0_i32, %c0_i32_1 : i32, i32, i32
  }
  func.func @transform_1(%arg0: i32) -> (i32, i32, i32) {
    %add3A = arith.constant 10 : i32
    %add3A_0 = arith.addi %arg0, %add3A : i32
    %c0_i32 = arith.constant 0 : i32
    %c0_i32_1 = arith.constant 0 : i32
    %c0_i32_2 = arith.constant 0 : i32
    return %add3A_0, %c0_i32, %c0_i32_1 : i32, i32, i32
  }
  func.func @transform_2(%arg0: i32) -> (i32, i32, i32) {
    %add3A = arith.constant 10 : i32
    %add3A_0 = arith.addi %arg0, %add3A : i32
    %c0_i32 = arith.constant 0 : i32
    %c0_i32_1 = arith.constant 0 : i32
    %c0_i32_2 = arith.constant 0 : i32
    return %add3A_0, %c0_i32, %c0_i32_1 : i32, i32, i32
  }
  func.func @transform_3(%arg0: i32) -> (i32, i32, i32) {
    %c0_i32 = arith.constant 0 : i32
    %c0_i32_0 = arith.constant 0 : i32
    %c0_i32_1 = arith.constant 0 : i32
    return %arg0, %c0_i32, %c0_i32_0 : i32, i32, i32
  }
}

module attributes {stable_mosaic.version = 14 : i64} {
  func.func @_tc_body(%arg0: i32, %arg1: memref<80x32x128xf32, #tpu.memory_space<vmem>>, %arg2: memref<80x32x16xf32, #tpu.memory_space<vmem>>, %arg3: memref<80x32x16xf32, #tpu.memory_space<vmem>>, %arg4: memref<80x16x144xf32, #tpu.memory_space<vmem>>) attributes {dimension_semantics = [#tpu.dimension_semantics<arbitrary>], iteration_bounds = array<i64: 5>, scalar_prefetch = 0 : i64, scratch_operands = 0 : i64, tpu.core_type = #tpu.core_type<tc>, window_params = [{transform_indices = @transform_0, window_bounds = array<i64: 80, 32, 128>}, {transform_indices = @transform_1, window_bounds = array<i64: 80, 32, 16>}, {transform_indices = @transform_2, window_bounds = array<i64: 80, 32, 16>}, {transform_indices = @transform_3, window_bounds = array<i64: 80, 16, 144>}]} {
    %get3A = arith.constant 0 : index
    %get3A_0 = arith.constant 0 : index
    %get3A_1 = arith.constant 0 : index
    %get3A_2 = vector.load %arg2[%get3A, %get3A_0, %get3A_1] : memref<80x32x16xf32, #tpu.memory_space<vmem>>, vector<80x32x16xf32>
    %get3A_3 = arith.constant 0 : index
    %get3A_4 = arith.constant 0 : index
    %get3A_5 = arith.constant 0 : index
    %get3A_6 = vector.load %arg1[%get3A_3, %get3A_4, %get3A_5] : memref<80x32x128xf32, #tpu.memory_space<vmem>>, vector<80x32x128xf32>
    %dot_general3A = arith.constant dense<0.000000e+00> : vector<80x16x128xf32>
    %dot_general3A_7 = tpu.matmul %get3A_2, %get3A_6, %dot_general3A {dimension_numbers = #tpu.dot_dimension_numbers<[1], [1], [2], [2], [0, 0, 0, 2, 1, 2], [0], [0]>, transpose_lhs_hint = false} : vector<80x32x16xf32>, vector<80x32x128xf32>, vector<80x16x128xf32> -> vector<80x16x128xf32>
    %get3A_8 = arith.constant 0 : index
    %get3A_9 = arith.constant 0 : index
    %get3A_10 = arith.constant 0 : index
    %get3A_11 = vector.load %arg3[%get3A_8, %get3A_9, %get3A_10] : memref<80x32x16xf32, #tpu.memory_space<vmem>>, vector<80x32x16xf32>
    %dot_general3A_12 = arith.constant dense<0.000000e+00> : vector<80x16x16xf32>
    %dot_general3A_13 = tpu.matmul %get3A_2, %get3A_11, %dot_general3A_12 {dimension_numbers = #tpu.dot_dimension_numbers<[1], [1], [2], [2], [0, 0, 0, 2, 1, 2], [0], [0]>, transpose_lhs_hint = false} : vector<80x32x16xf32>, vector<80x32x16xf32>, vector<80x16x16xf32> -> vector<80x16x16xf32>
    %swap3A = arith.constant 0 : index
    %swap3A_14 = arith.constant 0 : index
    %swap3A_15 = arith.constant 0 : index
    %swap3A_16 = vector.load %arg4[%swap3A, %swap3A_14, %swap3A_15] : memref<80x16x144xf32, #tpu.memory_space<vmem>>, vector<80x16x128xf32>
    tpu.vector_store %arg4[%swap3A, %swap3A_14, %swap3A_15], %dot_general3A_7 {strides = array<i32>} : memref<80x16x144xf32, #tpu.memory_space<vmem>>, vector<80x16x128xf32>,
    %swap3A_17 = arith.constant 0 : index
    %swap3A_18 = arith.constant 0 : index
    %swap3A_19 = arith.constant 128 : index
    %swap3A_20 = vector.load %arg4[%swap3A_17, %swap3A_18, %swap3A_19] : memref<80x16x144xf32, #tpu.memory_space<vmem>>, vector<80x16x16xf32>
    tpu.vector_store %arg4[%swap3A_17, %swap3A_18, %swap3A_19], %dot_general3A_13 {strides = array<i32>} : memref<80x16x144xf32, #tpu.memory_space<vmem>>, vector<80x16x16xf32>,
    return
  }
  func.func @transform_0(%arg0: i32) -> (i32, i32, i32) {
    %add3A = arith.constant 15 : i32
    %add3A_0 = arith.addi %arg0, %add3A : i32
    %c0_i32 = arith.constant 0 : i32
    %c0_i32_1 = arith.constant 0 : i32
    %c0_i32_2 = arith.constant 0 : i32
    return %add3A_0, %c0_i32, %c0_i32_1 : i32, i32, i32
  }
  func.func @transform_1(%arg0: i32) -> (i32, i32, i32) {
    %add3A = arith.constant 15 : i32
    %add3A_0 = arith.addi %arg0, %add3A : i32
    %c0_i32 = arith.constant 0 : i32
    %c0_i32_1 = arith.constant 0 : i32
    %c0_i32_2 = arith.constant 0 : i32
    return %add3A_0, %c0_i32, %c0_i32_1 : i32, i32, i32
  }
  func.func @transform_2(%arg0: i32) -> (i32, i32, i32) {
    %add3A = arith.constant 15 : i32
    %add3A_0 = arith.addi %arg0, %add3A : i32
    %c0_i32 = arith.constant 0 : i32
    %c0_i32_1 = arith.constant 0 : i32
    %c0_i32_2 = arith.constant 0 : i32
    return %add3A_0, %c0_i32, %c0_i32_1 : i32, i32, i32
  }
  func.func @transform_3(%arg0: i32) -> (i32, i32, i32) {
    %c0_i32 = arith.constant 0 : i32
    %c0_i32_0 = arith.constant 0 : i32
    %c0_i32_1 = arith.constant 0 : i32
    return %arg0, %c0_i32, %c0_i32_0 : i32, i32, i32
  }
}

module attributes {stable_mosaic.version = 14 : i64} {
  func.func @_tc_body(%arg0: i32, %arg1: memref<80x32x128xf32, #tpu.memory_space<vmem>>, %arg2: memref<80x32x16xf32, #tpu.memory_space<vmem>>, %arg3: memref<80x32x16xf32, #tpu.memory_space<vmem>>, %arg4: memref<80x16x144xf32, #tpu.memory_space<vmem>>) attributes {dimension_semantics = [#tpu.dimension_semantics<arbitrary>], iteration_bounds = array<i64: 5>, scalar_prefetch = 0 : i64, scratch_operands = 0 : i64, tpu.core_type = #tpu.core_type<tc>, window_params = [{transform_indices = @transform_0, window_bounds = array<i64: 80, 32, 128>}, {transform_indices = @transform_1, window_bounds = array<i64: 80, 32, 16>}, {transform_indices = @transform_2, window_bounds = array<i64: 80, 32, 16>}, {transform_indices = @transform_3, window_bounds = array<i64: 80, 16, 144>}]} {
    %get3A = arith.constant 0 : index
    %get3A_0 = arith.constant 0 : index
    %get3A_1 = arith.constant 0 : index
    %get3A_2 = vector.load %arg2[%get3A, %get3A_0, %get3A_1] : memref<80x32x16xf32, #tpu.memory_space<vmem>>, vector<80x32x16xf32>
    %get3A_3 = arith.constant 0 : index
    %get3A_4 = arith.constant 0 : index
    %get3A_5 = arith.constant 0 : index
    %get3A_6 = vector.load %arg1[%get3A_3, %get3A_4, %get3A_5] : memref<80x32x128xf32, #tpu.memory_space<vmem>>, vector<80x32x128xf32>
    %dot_general3A = arith.constant dense<0.000000e+00> : vector<80x16x128xf32>
    %dot_general3A_7 = tpu.matmul %get3A_2, %get3A_6, %dot_general3A {dimension_numbers = #tpu.dot_dimension_numbers<[1], [1], [2], [2], [0, 0, 0, 2, 1, 2], [0], [0]>, transpose_lhs_hint = false} : vector<80x32x16xf32>, vector<80x32x128xf32>, vector<80x16x128xf32> -> vector<80x16x128xf32>
    %get3A_8 = arith.constant 0 : index
    %get3A_9 = arith.constant 0 : index
    %get3A_10 = arith.constant 0 : index
    %get3A_11 = vector.load %arg3[%get3A_8, %get3A_9, %get3A_10] : memref<80x32x16xf32, #tpu.memory_space<vmem>>, vector<80x32x16xf32>
    %dot_general3A_12 = arith.constant dense<0.000000e+00> : vector<80x16x16xf32>
    %dot_general3A_13 = tpu.matmul %get3A_2, %get3A_11, %dot_general3A_12 {dimension_numbers = #tpu.dot_dimension_numbers<[1], [1], [2], [2], [0, 0, 0, 2, 1, 2], [0], [0]>, transpose_lhs_hint = false} : vector<80x32x16xf32>, vector<80x32x16xf32>, vector<80x16x16xf32> -> vector<80x16x16xf32>
    %swap3A = arith.constant 0 : index
    %swap3A_14 = arith.constant 0 : index
    %swap3A_15 = arith.constant 0 : index
    %swap3A_16 = vector.load %arg4[%swap3A, %swap3A_14, %swap3A_15] : memref<80x16x144xf32, #tpu.memory_space<vmem>>, vector<80x16x128xf32>
    tpu.vector_store %arg4[%swap3A, %swap3A_14, %swap3A_15], %dot_general3A_7 {strides = array<i32>} : memref<80x16x144xf32, #tpu.memory_space<vmem>>, vector<80x16x128xf32>,
    %swap3A_17 = arith.constant 0 : index
    %swap3A_18 = arith.constant 0 : index
    %swap3A_19 = arith.constant 128 : index
    %swap3A_20 = vector.load %arg4[%swap3A_17, %swap3A_18, %swap3A_19] : memref<80x16x144xf32, #tpu.memory_space<vmem>>, vector<80x16x16xf32>
    tpu.vector_store %arg4[%swap3A_17, %swap3A_18, %swap3A_19], %dot_general3A_13 {strides = array<i32>} : memref<80x16x144xf32, #tpu.memory_space<vmem>>, vector<80x16x16xf32>,
    return
  }
  func.func @transform_0(%arg0: i32) -> (i32, i32, i32) {
    %add3A = arith.constant 20 : i32
    %add3A_0 = arith.addi %arg0, %add3A : i32
    %c0_i32 = arith.constant 0 : i32
    %c0_i32_1 = arith.constant 0 : i32
    %c0_i32_2 = arith.constant 0 : i32
    return %add3A_0, %c0_i32, %c0_i32_1 : i32, i32, i32
  }
  func.func @transform_1(%arg0: i32) -> (i32, i32, i32) {
    %add3A = arith.constant 20 : i32
    %add3A_0 = arith.addi %arg0, %add3A : i32
    %c0_i32 = arith.constant 0 : i32
    %c0_i32_1 = arith.constant 0 : i32
    %c0_i32_2 = arith.constant 0 : i32
    return %add3A_0, %c0_i32, %c0_i32_1 : i32, i32, i32
  }
  func.func @transform_2(%arg0: i32) -> (i32, i32, i32) {
    %add3A = arith.constant 20 : i32
    %add3A_0 = arith.addi %arg0, %add3A : i32
    %c0_i32 = arith.constant 0 : i32
    %c0_i32_1 = arith.constant 0 : i32
    %c0_i32_2 = arith.constant 0 : i32
    return %add3A_0, %c0_i32, %c0_i32_1 : i32, i32, i32
  }
  func.func @transform_3(%arg0: i32) -> (i32, i32, i32) {
    %c0_i32 = arith.constant 0 : i32
    %c0_i32_0 = arith.constant 0 : i32
    %c0_i32_1 = arith.constant 0 : i32
    return %arg0, %c0_i32, %c0_i32_0 : i32, i32, i32
  }
}

module attributes {stable_mosaic.version = 14 : i64} {
  func.func @_tc_body(%arg0: i32, %arg1: memref<80x32x128xf32, #tpu.memory_space<vmem>>, %arg2: memref<80x32x16xf32, #tpu.memory_space<vmem>>, %arg3: memref<80x32x16xf32, #tpu.memory_space<vmem>>, %arg4: memref<80x16x144xf32, #tpu.memory_space<vmem>>) attributes {dimension_semantics = [#tpu.dimension_semantics<arbitrary>], iteration_bounds = array<i64: 5>, scalar_prefetch = 0 : i64, scratch_operands = 0 : i64, tpu.core_type = #tpu.core_type<tc>, window_params = [{transform_indices = @transform_0, window_bounds = array<i64: 80, 32, 128>}, {transform_indices = @transform_1, window_bounds = array<i64: 80, 32, 16>}, {transform_indices = @transform_2, window_bounds = array<i64: 80, 32, 16>}, {transform_indices = @transform_3, window_bounds = array<i64: 80, 16, 144>}]} {
    %get3A = arith.constant 0 : index
    %get3A_0 = arith.constant 0 : index
    %get3A_1 = arith.constant 0 : index
    %get3A_2 = vector.load %arg2[%get3A, %get3A_0, %get3A_1] : memref<80x32x16xf32, #tpu.memory_space<vmem>>, vector<80x32x16xf32>
    %get3A_3 = arith.constant 0 : index
    %get3A_4 = arith.constant 0 : index
    %get3A_5 = arith.constant 0 : index
    %get3A_6 = vector.load %arg1[%get3A_3, %get3A_4, %get3A_5] : memref<80x32x128xf32, #tpu.memory_space<vmem>>, vector<80x32x128xf32>
    %dot_general3A = arith.constant dense<0.000000e+00> : vector<80x16x128xf32>
    %dot_general3A_7 = tpu.matmul %get3A_2, %get3A_6, %dot_general3A {dimension_numbers = #tpu.dot_dimension_numbers<[1], [1], [2], [2], [0, 0, 0, 2, 1, 2], [0], [0]>, transpose_lhs_hint = false} : vector<80x32x16xf32>, vector<80x32x128xf32>, vector<80x16x128xf32> -> vector<80x16x128xf32>
    %get3A_8 = arith.constant 0 : index
    %get3A_9 = arith.constant 0 : index
    %get3A_10 = arith.constant 0 : index
    %get3A_11 = vector.load %arg3[%get3A_8, %get3A_9, %get3A_10] : memref<80x32x16xf32, #tpu.memory_space<vmem>>, vector<80x32x16xf32>
    %dot_general3A_12 = arith.constant dense<0.000000e+00> : vector<80x16x16xf32>
    %dot_general3A_13 = tpu.matmul %get3A_2, %get3A_11, %dot_general3A_12 {dimension_numbers = #tpu.dot_dimension_numbers<[1], [1], [2], [2], [0, 0, 0, 2, 1, 2], [0], [0]>, transpose_lhs_hint = false} : vector<80x32x16xf32>, vector<80x32x16xf32>, vector<80x16x16xf32> -> vector<80x16x16xf32>
    %swap3A = arith.constant 0 : index
    %swap3A_14 = arith.constant 0 : index
    %swap3A_15 = arith.constant 0 : index
    %swap3A_16 = vector.load %arg4[%swap3A, %swap3A_14, %swap3A_15] : memref<80x16x144xf32, #tpu.memory_space<vmem>>, vector<80x16x128xf32>
    tpu.vector_store %arg4[%swap3A, %swap3A_14, %swap3A_15], %dot_general3A_7 {strides = array<i32>} : memref<80x16x144xf32, #tpu.memory_space<vmem>>, vector<80x16x128xf32>,
    %swap3A_17 = arith.constant 0 : index
    %swap3A_18 = arith.constant 0 : index
    %swap3A_19 = arith.constant 128 : index
    %swap3A_20 = vector.load %arg4[%swap3A_17, %swap3A_18, %swap3A_19] : memref<80x16x144xf32, #tpu.memory_space<vmem>>, vector<80x16x16xf32>
    tpu.vector_store %arg4[%swap3A_17, %swap3A_18, %swap3A_19], %dot_general3A_13 {strides = array<i32>} : memref<80x16x144xf32, #tpu.memory_space<vmem>>, vector<80x16x16xf32>,
    return
  }
  func.func @transform_0(%arg0: i32) -> (i32, i32, i32) {
    %add3A = arith.constant 25 : i32
    %add3A_0 = arith.addi %arg0, %add3A : i32
    %c0_i32 = arith.constant 0 : i32
    %c0_i32_1 = arith.constant 0 : i32
    %c0_i32_2 = arith.constant 0 : i32
    return %add3A_0, %c0_i32, %c0_i32_1 : i32, i32, i32
  }
  func.func @transform_1(%arg0: i32) -> (i32, i32, i32) {
    %add3A = arith.constant 25 : i32
    %add3A_0 = arith.addi %arg0, %add3A : i32
    %c0_i32 = arith.constant 0 : i32
    %c0_i32_1 = arith.constant 0 : i32
    %c0_i32_2 = arith.constant 0 : i32
    return %add3A_0, %c0_i32, %c0_i32_1 : i32, i32, i32
  }
  func.func @transform_2(%arg0: i32) -> (i32, i32, i32) {
    %add3A = arith.constant 25 : i32
    %add3A_0 = arith.addi %arg0, %add3A : i32
    %c0_i32 = arith.constant 0 : i32
    %c0_i32_1 = arith.constant 0 : i32
    %c0_i32_2 = arith.constant 0 : i32
    return %add3A_0, %c0_i32, %c0_i32_1 : i32, i32, i32
  }
  func.func @transform_3(%arg0: i32) -> (i32, i32, i32) {
    %c0_i32 = arith.constant 0 : i32
    %c0_i32_0 = arith.constant 0 : i32
    %c0_i32_1 = arith.constant 0 : i32
    return %arg0, %c0_i32, %c0_i32_0 : i32, i32, i32
  }
}

module attributes {stable_mosaic.version = 14 : i64} {
  func.func @_tc_body(%arg0: i32, %arg1: memref<80x32x128xf32, #tpu.memory_space<vmem>>, %arg2: memref<80x32x16xf32, #tpu.memory_space<vmem>>, %arg3: memref<80x32x16xf32, #tpu.memory_space<vmem>>, %arg4: memref<80x16x144xf32, #tpu.memory_space<vmem>>) attributes {dimension_semantics = [#tpu.dimension_semantics<arbitrary>], iteration_bounds = array<i64: 5>, scalar_prefetch = 0 : i64, scratch_operands = 0 : i64, tpu.core_type = #tpu.core_type<tc>, window_params = [{transform_indices = @transform_0, window_bounds = array<i64: 80, 32, 128>}, {transform_indices = @transform_1, window_bounds = array<i64: 80, 32, 16>}, {transform_indices = @transform_2, window_bounds = array<i64: 80, 32, 16>}, {transform_indices = @transform_3, window_bounds = array<i64: 80, 16, 144>}]} {
    %get3A = arith.constant 0 : index
    %get3A_0 = arith.constant 0 : index
    %get3A_1 = arith.constant 0 : index
    %get3A_2 = vector.load %arg2[%get3A, %get3A_0, %get3A_1] : memref<80x32x16xf32, #tpu.memory_space<vmem>>, vector<80x32x16xf32>
    %get3A_3 = arith.constant 0 : index
    %get3A_4 = arith.constant 0 : index
    %get3A_5 = arith.constant 0 : index
    %get3A_6 = vector.load %arg1[%get3A_3, %get3A_4, %get3A_5] : memref<80x32x128xf32, #tpu.memory_space<vmem>>, vector<80x32x128xf32>
    %dot_general3A = arith.constant dense<0.000000e+00> : vector<80x16x128xf32>
    %dot_general3A_7 = tpu.matmul %get3A_2, %get3A_6, %dot_general3A {dimension_numbers = #tpu.dot_dimension_numbers<[1], [1], [2], [2], [0, 0, 0, 2, 1, 2], [0], [0]>, transpose_lhs_hint = false} : vector<80x32x16xf32>, vector<80x32x128xf32>, vector<80x16x128xf32> -> vector<80x16x128xf32>
    %get3A_8 = arith.constant 0 : index
    %get3A_9 = arith.constant 0 : index
    %get3A_10 = arith.constant 0 : index
    %get3A_11 = vector.load %arg3[%get3A_8, %get3A_9, %get3A_10] : memref<80x32x16xf32, #tpu.memory_space<vmem>>, vector<80x32x16xf32>
    %dot_general3A_12 = arith.constant dense<0.000000e+00> : vector<80x16x16xf32>
    %dot_general3A_13 = tpu.matmul %get3A_2, %get3A_11, %dot_general3A_12 {dimension_numbers = #tpu.dot_dimension_numbers<[1], [1], [2], [2], [0, 0, 0, 2, 1, 2], [0], [0]>, transpose_lhs_hint = false} : vector<80x32x16xf32>, vector<80x32x16xf32>, vector<80x16x16xf32> -> vector<80x16x16xf32>
    %swap3A = arith.constant 0 : index
    %swap3A_14 = arith.constant 0 : index
    %swap3A_15 = arith.constant 0 : index
    %swap3A_16 = vector.load %arg4[%swap3A, %swap3A_14, %swap3A_15] : memref<80x16x144xf32, #tpu.memory_space<vmem>>, vector<80x16x128xf32>
    tpu.vector_store %arg4[%swap3A, %swap3A_14, %swap3A_15], %dot_general3A_7 {strides = array<i32>} : memref<80x16x144xf32, #tpu.memory_space<vmem>>, vector<80x16x128xf32>,
    %swap3A_17 = arith.constant 0 : index
    %swap3A_18 = arith.constant 0 : index
    %swap3A_19 = arith.constant 128 : index
    %swap3A_20 = vector.load %arg4[%swap3A_17, %swap3A_18, %swap3A_19] : memref<80x16x144xf32, #tpu.memory_space<vmem>>, vector<80x16x16xf32>
    tpu.vector_store %arg4[%swap3A_17, %swap3A_18, %swap3A_19], %dot_general3A_13 {strides = array<i32>} : memref<80x16x144xf32, #tpu.memory_space<vmem>>, vector<80x16x16xf32>,
    return
  }
  func.func @transform_0(%arg0: i32) -> (i32, i32, i32) {
    %add3A = arith.constant 30 : i32
    %add3A_0 = arith.addi %arg0, %add3A : i32
    %c0_i32 = arith.constant 0 : i32
    %c0_i32_1 = arith.constant 0 : i32
    %c0_i32_2 = arith.constant 0 : i32
    return %add3A_0, %c0_i32, %c0_i32_1 : i32, i32, i32
  }
  func.func @transform_1(%arg0: i32) -> (i32, i32, i32) {
    %add3A = arith.constant 30 : i32
    %add3A_0 = arith.addi %arg0, %add3A : i32
    %c0_i32 = arith.constant 0 : i32
    %c0_i32_1 = arith.constant 0 : i32
    %c0_i32_2 = arith.constant 0 : i32
    return %add3A_0, %c0_i32, %c0_i32_1 : i32, i32, i32
  }
  func.func @transform_2(%arg0: i32) -> (i32, i32, i32) {
    %add3A = arith.constant 30 : i32
    %add3A_0 = arith.addi %arg0, %add3A : i32
    %c0_i32 = arith.constant 0 : i32
    %c0_i32_1 = arith.constant 0 : i32
    %c0_i32_2 = arith.constant 0 : i32
    return %add3A_0, %c0_i32, %c0_i32_1 : i32, i32, i32
  }
  func.func @transform_3(%arg0: i32) -> (i32, i32, i32) {
    %c0_i32 = arith.constant 0 : i32
    %c0_i32_0 = arith.constant 0 : i32
    %c0_i32_1 = arith.constant 0 : i32
    return %arg0, %c0_i32, %c0_i32_0 : i32, i32, i32
  }
}

module attributes {stable_mosaic.version = 14 : i64} {
  func.func @_tc_body(%arg0: i32, %arg1: memref<80x32x128xf32, #tpu.memory_space<vmem>>, %arg2: memref<80x32x16xf32, #tpu.memory_space<vmem>>, %arg3: memref<80x32x16xf32, #tpu.memory_space<vmem>>, %arg4: memref<80x16x144xf32, #tpu.memory_space<vmem>>) attributes {dimension_semantics = [#tpu.dimension_semantics<arbitrary>], iteration_bounds = array<i64: 5>, scalar_prefetch = 0 : i64, scratch_operands = 0 : i64, tpu.core_type = #tpu.core_type<tc>, window_params = [{transform_indices = @transform_0, window_bounds = array<i64: 80, 32, 128>}, {transform_indices = @transform_1, window_bounds = array<i64: 80, 32, 16>}, {transform_indices = @transform_2, window_bounds = array<i64: 80, 32, 16>}, {transform_indices = @transform_3, window_bounds = array<i64: 80, 16, 144>}]} {
    %get3A = arith.constant 0 : index
    %get3A_0 = arith.constant 0 : index
    %get3A_1 = arith.constant 0 : index
    %get3A_2 = vector.load %arg2[%get3A, %get3A_0, %get3A_1] : memref<80x32x16xf32, #tpu.memory_space<vmem>>, vector<80x32x16xf32>
    %get3A_3 = arith.constant 0 : index
    %get3A_4 = arith.constant 0 : index
    %get3A_5 = arith.constant 0 : index
    %get3A_6 = vector.load %arg1[%get3A_3, %get3A_4, %get3A_5] : memref<80x32x128xf32, #tpu.memory_space<vmem>>, vector<80x32x128xf32>
    %dot_general3A = arith.constant dense<0.000000e+00> : vector<80x16x128xf32>
    %dot_general3A_7 = tpu.matmul %get3A_2, %get3A_6, %dot_general3A {dimension_numbers = #tpu.dot_dimension_numbers<[1], [1], [2], [2], [0, 0, 0, 2, 1, 2], [0], [0]>, transpose_lhs_hint = false} : vector<80x32x16xf32>, vector<80x32x128xf32>, vector<80x16x128xf32> -> vector<80x16x128xf32>
    %get3A_8 = arith.constant 0 : index
    %get3A_9 = arith.constant 0 : index
    %get3A_10 = arith.constant 0 : index
    %get3A_11 = vector.load %arg3[%get3A_8, %get3A_9, %get3A_10] : memref<80x32x16xf32, #tpu.memory_space<vmem>>, vector<80x32x16xf32>
    %dot_general3A_12 = arith.constant dense<0.000000e+00> : vector<80x16x16xf32>
    %dot_general3A_13 = tpu.matmul %get3A_2, %get3A_11, %dot_general3A_12 {dimension_numbers = #tpu.dot_dimension_numbers<[1], [1], [2], [2], [0, 0, 0, 2, 1, 2], [0], [0]>, transpose_lhs_hint = false} : vector<80x32x16xf32>, vector<80x32x16xf32>, vector<80x16x16xf32> -> vector<80x16x16xf32>
    %swap3A = arith.constant 0 : index
    %swap3A_14 = arith.constant 0 : index
    %swap3A_15 = arith.constant 0 : index
    %swap3A_16 = vector.load %arg4[%swap3A, %swap3A_14, %swap3A_15] : memref<80x16x144xf32, #tpu.memory_space<vmem>>, vector<80x16x128xf32>
    tpu.vector_store %arg4[%swap3A, %swap3A_14, %swap3A_15], %dot_general3A_7 {strides = array<i32>} : memref<80x16x144xf32, #tpu.memory_space<vmem>>, vector<80x16x128xf32>,
    %swap3A_17 = arith.constant 0 : index
    %swap3A_18 = arith.constant 0 : index
    %swap3A_19 = arith.constant 128 : index
    %swap3A_20 = vector.load %arg4[%swap3A_17, %swap3A_18, %swap3A_19] : memref<80x16x144xf32, #tpu.memory_space<vmem>>, vector<80x16x16xf32>
    tpu.vector_store %arg4[%swap3A_17, %swap3A_18, %swap3A_19], %dot_general3A_13 {strides = array<i32>} : memref<80x16x144xf32, #tpu.memory_space<vmem>>, vector<80x16x16xf32>,
    return
  }
  func.func @transform_0(%arg0: i32) -> (i32, i32, i32) {
    %add3A = arith.constant 35 : i32
    %add3A_0 = arith.addi %arg0, %add3A : i32
    %c0_i32 = arith.constant 0 : i32
    %c0_i32_1 = arith.constant 0 : i32
    %c0_i32_2 = arith.constant 0 : i32
    return %add3A_0, %c0_i32, %c0_i32_1 : i32, i32, i32
  }
  func.func @transform_1(%arg0: i32) -> (i32, i32, i32) {
    %add3A = arith.constant 35 : i32
    %add3A_0 = arith.addi %arg0, %add3A : i32
    %c0_i32 = arith.constant 0 : i32
    %c0_i32_1 = arith.constant 0 : i32
    %c0_i32_2 = arith.constant 0 : i32
    return %add3A_0, %c0_i32, %c0_i32_1 : i32, i32, i32
  }
  func.func @transform_2(%arg0: i32) -> (i32, i32, i32) {
    %add3A = arith.constant 35 : i32
    %add3A_0 = arith.addi %arg0, %add3A : i32
    %c0_i32 = arith.constant 0 : i32
    %c0_i32_1 = arith.constant 0 : i32
    %c0_i32_2 = arith.constant 0 : i32
    return %add3A_0, %c0_i32, %c0_i32_1 : i32, i32, i32
  }
  func.func @transform_3(%arg0: i32) -> (i32, i32, i32) {
    %c0_i32 = arith.constant 0 : i32
    %c0_i32_0 = arith.constant 0 : i32
    %c0_i32_1 = arith.constant 0 : i32
    return %arg0, %c0_i32, %c0_i32_0 : i32, i32, i32
  }
}

module attributes {stable_mosaic.version = 14 : i64} {
  func.func @_tc_body(%arg0: i32, %arg1: memref<80x32x128xf32, #tpu.memory_space<vmem>>, %arg2: memref<80x32x16xf32, #tpu.memory_space<vmem>>, %arg3: memref<80x32x16xf32, #tpu.memory_space<vmem>>, %arg4: memref<80x16x144xf32, #tpu.memory_space<vmem>>) attributes {dimension_semantics = [#tpu.dimension_semantics<arbitrary>], iteration_bounds = array<i64: 5>, scalar_prefetch = 0 : i64, scratch_operands = 0 : i64, tpu.core_type = #tpu.core_type<tc>, window_params = [{transform_indices = @transform_0, window_bounds = array<i64: 80, 32, 128>}, {transform_indices = @transform_1, window_bounds = array<i64: 80, 32, 16>}, {transform_indices = @transform_2, window_bounds = array<i64: 80, 32, 16>}, {transform_indices = @transform_3, window_bounds = array<i64: 80, 16, 144>}]} {
    %get3A = arith.constant 0 : index
    %get3A_0 = arith.constant 0 : index
    %get3A_1 = arith.constant 0 : index
    %get3A_2 = vector.load %arg2[%get3A, %get3A_0, %get3A_1] : memref<80x32x16xf32, #tpu.memory_space<vmem>>, vector<80x32x16xf32>
    %get3A_3 = arith.constant 0 : index
    %get3A_4 = arith.constant 0 : index
    %get3A_5 = arith.constant 0 : index
    %get3A_6 = vector.load %arg1[%get3A_3, %get3A_4, %get3A_5] : memref<80x32x128xf32, #tpu.memory_space<vmem>>, vector<80x32x128xf32>
    %dot_general3A = arith.constant dense<0.000000e+00> : vector<80x16x128xf32>
    %dot_general3A_7 = tpu.matmul %get3A_2, %get3A_6, %dot_general3A {dimension_numbers = #tpu.dot_dimension_numbers<[1], [1], [2], [2], [0, 0, 0, 2, 1, 2], [0], [0]>, transpose_lhs_hint = false} : vector<80x32x16xf32>, vector<80x32x128xf32>, vector<80x16x128xf32> -> vector<80x16x128xf32>
    %get3A_8 = arith.constant 0 : index
    %get3A_9 = arith.constant 0 : index
    %get3A_10 = arith.constant 0 : index
    %get3A_11 = vector.load %arg3[%get3A_8, %get3A_9, %get3A_10] : memref<80x32x16xf32, #tpu.memory_space<vmem>>, vector<80x32x16xf32>
    %dot_general3A_12 = arith.constant dense<0.000000e+00> : vector<80x16x16xf32>
    %dot_general3A_13 = tpu.matmul %get3A_2, %get3A_11, %dot_general3A_12 {dimension_numbers = #tpu.dot_dimension_numbers<[1], [1], [2], [2], [0, 0, 0, 2, 1, 2], [0], [0]>, transpose_lhs_hint = false} : vector<80x32x16xf32>, vector<80x32x16xf32>, vector<80x16x16xf32> -> vector<80x16x16xf32>
    %swap3A = arith.constant 0 : index
    %swap3A_14 = arith.constant 0 : index
    %swap3A_15 = arith.constant 0 : index
    %swap3A_16 = vector.load %arg4[%swap3A, %swap3A_14, %swap3A_15] : memref<80x16x144xf32, #tpu.memory_space<vmem>>, vector<80x16x128xf32>
    tpu.vector_store %arg4[%swap3A, %swap3A_14, %swap3A_15], %dot_general3A_7 {strides = array<i32>} : memref<80x16x144xf32, #tpu.memory_space<vmem>>, vector<80x16x128xf32>,
    %swap3A_17 = arith.constant 0 : index
    %swap3A_18 = arith.constant 0 : index
    %swap3A_19 = arith.constant 128 : index
    %swap3A_20 = vector.load %arg4[%swap3A_17, %swap3A_18, %swap3A_19] : memref<80x16x144xf32, #tpu.memory_space<vmem>>, vector<80x16x16xf32>
    tpu.vector_store %arg4[%swap3A_17, %swap3A_18, %swap3A_19], %dot_general3A_13 {strides = array<i32>} : memref<80x16x144xf32, #tpu.memory_space<vmem>>, vector<80x16x16xf32>,
    return
  }
  func.func @transform_0(%arg0: i32) -> (i32, i32, i32) {
    %add3A = arith.constant 40 : i32
    %add3A_0 = arith.addi %arg0, %add3A : i32
    %c0_i32 = arith.constant 0 : i32
    %c0_i32_1 = arith.constant 0 : i32
    %c0_i32_2 = arith.constant 0 : i32
    return %add3A_0, %c0_i32, %c0_i32_1 : i32, i32, i32
  }
  func.func @transform_1(%arg0: i32) -> (i32, i32, i32) {
    %add3A = arith.constant 40 : i32
    %add3A_0 = arith.addi %arg0, %add3A : i32
    %c0_i32 = arith.constant 0 : i32
    %c0_i32_1 = arith.constant 0 : i32
    %c0_i32_2 = arith.constant 0 : i32
    return %add3A_0, %c0_i32, %c0_i32_1 : i32, i32, i32
  }
  func.func @transform_2(%arg0: i32) -> (i32, i32, i32) {
    %add3A = arith.constant 40 : i32
    %add3A_0 = arith.addi %arg0, %add3A : i32
    %c0_i32 = arith.constant 0 : i32
    %c0_i32_1 = arith.constant 0 : i32
    %c0_i32_2 = arith.constant 0 : i32
    return %add3A_0, %c0_i32, %c0_i32_1 : i32, i32, i32
  }
  func.func @transform_3(%arg0: i32) -> (i32, i32, i32) {
    %c0_i32 = arith.constant 0 : i32
    %c0_i32_0 = arith.constant 0 : i32
    %c0_i32_1 = arith.constant 0 : i32
    return %arg0, %c0_i32, %c0_i32_0 : i32, i32, i32
  }
}

module attributes {stable_mosaic.version = 14 : i64} {
  func.func @_tc_body(%arg0: i32, %arg1: memref<80x32x128xf32, #tpu.memory_space<vmem>>, %arg2: memref<80x32x16xf32, #tpu.memory_space<vmem>>, %arg3: memref<80x32x16xf32, #tpu.memory_space<vmem>>, %arg4: memref<80x16x144xf32, #tpu.memory_space<vmem>>) attributes {dimension_semantics = [#tpu.dimension_semantics<arbitrary>], iteration_bounds = array<i64: 5>, scalar_prefetch = 0 : i64, scratch_operands = 0 : i64, tpu.core_type = #tpu.core_type<tc>, window_params = [{transform_indices = @transform_0, window_bounds = array<i64: 80, 32, 128>}, {transform_indices = @transform_1, window_bounds = array<i64: 80, 32, 16>}, {transform_indices = @transform_2, window_bounds = array<i64: 80, 32, 16>}, {transform_indices = @transform_3, window_bounds = array<i64: 80, 16, 144>}]} {
    %get3A = arith.constant 0 : index
    %get3A_0 = arith.constant 0 : index
    %get3A_1 = arith.constant 0 : index
    %get3A_2 = vector.load %arg2[%get3A, %get3A_0, %get3A_1] : memref<80x32x16xf32, #tpu.memory_space<vmem>>, vector<80x32x16xf32>
    %get3A_3 = arith.constant 0 : index
    %get3A_4 = arith.constant 0 : index
    %get3A_5 = arith.constant 0 : index
    %get3A_6 = vector.load %arg1[%get3A_3, %get3A_4, %get3A_5] : memref<80x32x128xf32, #tpu.memory_space<vmem>>, vector<80x32x128xf32>
    %dot_general3A = arith.constant dense<0.000000e+00> : vector<80x16x128xf32>
    %dot_general3A_7 = tpu.matmul %get3A_2, %get3A_6, %dot_general3A {dimension_numbers = #tpu.dot_dimension_numbers<[1], [1], [2], [2], [0, 0, 0, 2, 1, 2], [0], [0]>, transpose_lhs_hint = false} : vector<80x32x16xf32>, vector<80x32x128xf32>, vector<80x16x128xf32> -> vector<80x16x128xf32>
    %get3A_8 = arith.constant 0 : index
    %get3A_9 = arith.constant 0 : index
    %get3A_10 = arith.constant 0 : index
    %get3A_11 = vector.load %arg3[%get3A_8, %get3A_9, %get3A_10] : memref<80x32x16xf32, #tpu.memory_space<vmem>>, vector<80x32x16xf32>
    %dot_general3A_12 = arith.constant dense<0.000000e+00> : vector<80x16x16xf32>
    %dot_general3A_13 = tpu.matmul %get3A_2, %get3A_11, %dot_general3A_12 {dimension_numbers = #tpu.dot_dimension_numbers<[1], [1], [2], [2], [0, 0, 0, 2, 1, 2], [0], [0]>, transpose_lhs_hint = false} : vector<80x32x16xf32>, vector<80x32x16xf32>, vector<80x16x16xf32> -> vector<80x16x16xf32>
    %swap3A = arith.constant 0 : index
    %swap3A_14 = arith.constant 0 : index
    %swap3A_15 = arith.constant 0 : index
    %swap3A_16 = vector.load %arg4[%swap3A, %swap3A_14, %swap3A_15] : memref<80x16x144xf32, #tpu.memory_space<vmem>>, vector<80x16x128xf32>
    tpu.vector_store %arg4[%swap3A, %swap3A_14, %swap3A_15], %dot_general3A_7 {strides = array<i32>} : memref<80x16x144xf32, #tpu.memory_space<vmem>>, vector<80x16x128xf32>,
    %swap3A_17 = arith.constant 0 : index
    %swap3A_18 = arith.constant 0 : index
    %swap3A_19 = arith.constant 128 : index
    %swap3A_20 = vector.load %arg4[%swap3A_17, %swap3A_18, %swap3A_19] : memref<80x16x144xf32, #tpu.memory_space<vmem>>, vector<80x16x16xf32>
    tpu.vector_store %arg4[%swap3A_17, %swap3A_18, %swap3A_19], %dot_general3A_13 {strides = array<i32>} : memref<80x16x144xf32, #tpu.memory_space<vmem>>, vector<80x16x16xf32>,
    return
  }
  func.func @transform_0(%arg0: i32) -> (i32, i32, i32) {
    %add3A = arith.constant 45 : i32
    %add3A_0 = arith.addi %arg0, %add3A : i32
    %c0_i32 = arith.constant 0 : i32
    %c0_i32_1 = arith.constant 0 : i32
    %c0_i32_2 = arith.constant 0 : i32
    return %add3A_0, %c0_i32, %c0_i32_1 : i32, i32, i32
  }
  func.func @transform_1(%arg0: i32) -> (i32, i32, i32) {
    %add3A = arith.constant 45 : i32
    %add3A_0 = arith.addi %arg0, %add3A : i32
    %c0_i32 = arith.constant 0 : i32
    %c0_i32_1 = arith.constant 0 : i32
    %c0_i32_2 = arith.constant 0 : i32
    return %add3A_0, %c0_i32, %c0_i32_1 : i32, i32, i32
  }
  func.func @transform_2(%arg0: i32) -> (i32, i32, i32) {
    %add3A = arith.constant 45 : i32
    %add3A_0 = arith.addi %arg0, %add3A : i32
    %c0_i32 = arith.constant 0 : i32
    %c0_i32_1 = arith.constant 0 : i32
    %c0_i32_2 = arith.constant 0 : i32
    return %add3A_0, %c0_i32, %c0_i32_1 : i32, i32, i32
  }
  func.func @transform_3(%arg0: i32) -> (i32, i32, i32) {
    %c0_i32 = arith.constant 0 : i32
    %c0_i32_0 = arith.constant 0 : i32
    %c0_i32_1 = arith.constant 0 : i32
    return %arg0, %c0_i32, %c0_i32_0 : i32, i32, i32
  }
}

module attributes {stable_mosaic.version = 14 : i64} {
  func.func @_tc_body(%arg0: i32, %arg1: memref<80x32x128xf32, #tpu.memory_space<vmem>>, %arg2: memref<80x32x16xf32, #tpu.memory_space<vmem>>, %arg3: memref<80x32x16xf32, #tpu.memory_space<vmem>>, %arg4: memref<80x16x144xf32, #tpu.memory_space<vmem>>) attributes {dimension_semantics = [#tpu.dimension_semantics<arbitrary>], iteration_bounds = array<i64: 5>, scalar_prefetch = 0 : i64, scratch_operands = 0 : i64, tpu.core_type = #tpu.core_type<tc>, window_params = [{transform_indices = @transform_0, window_bounds = array<i64: 80, 32, 128>}, {transform_indices = @transform_1, window_bounds = array<i64: 80, 32, 16>}, {transform_indices = @transform_2, window_bounds = array<i64: 80, 32, 16>}, {transform_indices = @transform_3, window_bounds = array<i64: 80, 16, 144>}]} {
    %get3A = arith.constant 0 : index
    %get3A_0 = arith.constant 0 : index
    %get3A_1 = arith.constant 0 : index
    %get3A_2 = vector.load %arg2[%get3A, %get3A_0, %get3A_1] : memref<80x32x16xf32, #tpu.memory_space<vmem>>, vector<80x32x16xf32>
    %get3A_3 = arith.constant 0 : index
    %get3A_4 = arith.constant 0 : index
    %get3A_5 = arith.constant 0 : index
    %get3A_6 = vector.load %arg1[%get3A_3, %get3A_4, %get3A_5] : memref<80x32x128xf32, #tpu.memory_space<vmem>>, vector<80x32x128xf32>
    %dot_general3A = arith.constant dense<0.000000e+00> : vector<80x16x128xf32>
    %dot_general3A_7 = tpu.matmul %get3A_2, %get3A_6, %dot_general3A {dimension_numbers = #tpu.dot_dimension_numbers<[1], [1], [2], [2], [0, 0, 0, 2, 1, 2], [0], [0]>, transpose_lhs_hint = false} : vector<80x32x16xf32>, vector<80x32x128xf32>, vector<80x16x128xf32> -> vector<80x16x128xf32>
    %get3A_8 = arith.constant 0 : index
    %get3A_9 = arith.constant 0 : index
    %get3A_10 = arith.constant 0 : index
    %get3A_11 = vector.load %arg3[%get3A_8, %get3A_9, %get3A_10] : memref<80x32x16xf32, #tpu.memory_space<vmem>>, vector<80x32x16xf32>
    %dot_general3A_12 = arith.constant dense<0.000000e+00> : vector<80x16x16xf32>
    %dot_general3A_13 = tpu.matmul %get3A_2, %get3A_11, %dot_general3A_12 {dimension_numbers = #tpu.dot_dimension_numbers<[1], [1], [2], [2], [0, 0, 0, 2, 1, 2], [0], [0]>, transpose_lhs_hint = false} : vector<80x32x16xf32>, vector<80x32x16xf32>, vector<80x16x16xf32> -> vector<80x16x16xf32>
    %swap3A = arith.constant 0 : index
    %swap3A_14 = arith.constant 0 : index
    %swap3A_15 = arith.constant 0 : index
    %swap3A_16 = vector.load %arg4[%swap3A, %swap3A_14, %swap3A_15] : memref<80x16x144xf32, #tpu.memory_space<vmem>>, vector<80x16x128xf32>
    tpu.vector_store %arg4[%swap3A, %swap3A_14, %swap3A_15], %dot_general3A_7 {strides = array<i32>} : memref<80x16x144xf32, #tpu.memory_space<vmem>>, vector<80x16x128xf32>,
    %swap3A_17 = arith.constant 0 : index
    %swap3A_18 = arith.constant 0 : index
    %swap3A_19 = arith.constant 128 : index
    %swap3A_20 = vector.load %arg4[%swap3A_17, %swap3A_18, %swap3A_19] : memref<80x16x144xf32, #tpu.memory_space<vmem>>, vector<80x16x16xf32>
    tpu.vector_store %arg4[%swap3A_17, %swap3A_18, %swap3A_19], %dot_general3A_13 {strides = array<i32>} : memref<80x16x144xf32, #tpu.memory_space<vmem>>, vector<80x16x16xf32>,
    return
  }
  func.func @transform_0(%arg0: i32) -> (i32, i32, i32) {
    %add3A = arith.constant 50 : i32
    %add3A_0 = arith.addi %arg0, %add3A : i32
    %c0_i32 = arith.constant 0 : i32
    %c0_i32_1 = arith.constant 0 : i32
    %c0_i32_2 = arith.constant 0 : i32
    return %add3A_0, %c0_i32, %c0_i32_1 : i32, i32, i32
  }
  func.func @transform_1(%arg0: i32) -> (i32, i32, i32) {
    %add3A = arith.constant 50 : i32
    %add3A_0 = arith.addi %arg0, %add3A : i32
    %c0_i32 = arith.constant 0 : i32
    %c0_i32_1 = arith.constant 0 : i32
    %c0_i32_2 = arith.constant 0 : i32
    return %add3A_0, %c0_i32, %c0_i32_1 : i32, i32, i32
  }
  func.func @transform_2(%arg0: i32) -> (i32, i32, i32) {
    %add3A = arith.constant 50 : i32
    %add3A_0 = arith.addi %arg0, %add3A : i32
    %c0_i32 = arith.constant 0 : i32
    %c0_i32_1 = arith.constant 0 : i32
    %c0_i32_2 = arith.constant 0 : i32
    return %add3A_0, %c0_i32, %c0_i32_1 : i32, i32, i32
  }
  func.func @transform_3(%arg0: i32) -> (i32, i32, i32) {
    %c0_i32 = arith.constant 0 : i32
    %c0_i32_0 = arith.constant 0 : i32
    %c0_i32_1 = arith.constant 0 : i32
    return %arg0, %c0_i32, %c0_i32_0 : i32, i32, i32
  }
}

module attributes {stable_mosaic.version = 14 : i64} {
  func.func @_tc_body(%arg0: i32, %arg1: memref<80x32x128xf32, #tpu.memory_space<vmem>>, %arg2: memref<80x32x16xf32, #tpu.memory_space<vmem>>, %arg3: memref<80x32x16xf32, #tpu.memory_space<vmem>>, %arg4: memref<80x16x144xf32, #tpu.memory_space<vmem>>) attributes {dimension_semantics = [#tpu.dimension_semantics<arbitrary>], iteration_bounds = array<i64: 5>, scalar_prefetch = 0 : i64, scratch_operands = 0 : i64, tpu.core_type = #tpu.core_type<tc>, window_params = [{transform_indices = @transform_0, window_bounds = array<i64: 80, 32, 128>}, {transform_indices = @transform_1, window_bounds = array<i64: 80, 32, 16>}, {transform_indices = @transform_2, window_bounds = array<i64: 80, 32, 16>}, {transform_indices = @transform_3, window_bounds = array<i64: 80, 16, 144>}]} {
    %get3A = arith.constant 0 : index
    %get3A_0 = arith.constant 0 : index
    %get3A_1 = arith.constant 0 : index
    %get3A_2 = vector.load %arg2[%get3A, %get3A_0, %get3A_1] : memref<80x32x16xf32, #tpu.memory_space<vmem>>, vector<80x32x16xf32>
    %get3A_3 = arith.constant 0 : index
    %get3A_4 = arith.constant 0 : index
    %get3A_5 = arith.constant 0 : index
    %get3A_6 = vector.load %arg1[%get3A_3, %get3A_4, %get3A_5] : memref<80x32x128xf32, #tpu.memory_space<vmem>>, vector<80x32x128xf32>
    %dot_general3A = arith.constant dense<0.000000e+00> : vector<80x16x128xf32>
    %dot_general3A_7 = tpu.matmul %get3A_2, %get3A_6, %dot_general3A {dimension_numbers = #tpu.dot_dimension_numbers<[1], [1], [2], [2], [0, 0, 0, 2, 1, 2], [0], [0]>, transpose_lhs_hint = false} : vector<80x32x16xf32>, vector<80x32x128xf32>, vector<80x16x128xf32> -> vector<80x16x128xf32>
    %get3A_8 = arith.constant 0 : index
    %get3A_9 = arith.constant 0 : index
    %get3A_10 = arith.constant 0 : index
    %get3A_11 = vector.load %arg3[%get3A_8, %get3A_9, %get3A_10] : memref<80x32x16xf32, #tpu.memory_space<vmem>>, vector<80x32x16xf32>
    %dot_general3A_12 = arith.constant dense<0.000000e+00> : vector<80x16x16xf32>
    %dot_general3A_13 = tpu.matmul %get3A_2, %get3A_11, %dot_general3A_12 {dimension_numbers = #tpu.dot_dimension_numbers<[1], [1], [2], [2], [0, 0, 0, 2, 1, 2], [0], [0]>, transpose_lhs_hint = false} : vector<80x32x16xf32>, vector<80x32x16xf32>, vector<80x16x16xf32> -> vector<80x16x16xf32>
    %swap3A = arith.constant 0 : index
    %swap3A_14 = arith.constant 0 : index
    %swap3A_15 = arith.constant 0 : index
    %swap3A_16 = vector.load %arg4[%swap3A, %swap3A_14, %swap3A_15] : memref<80x16x144xf32, #tpu.memory_space<vmem>>, vector<80x16x128xf32>
    tpu.vector_store %arg4[%swap3A, %swap3A_14, %swap3A_15], %dot_general3A_7 {strides = array<i32>} : memref<80x16x144xf32, #tpu.memory_space<vmem>>, vector<80x16x128xf32>,
    %swap3A_17 = arith.constant 0 : index
    %swap3A_18 = arith.constant 0 : index
    %swap3A_19 = arith.constant 128 : index
    %swap3A_20 = vector.load %arg4[%swap3A_17, %swap3A_18, %swap3A_19] : memref<80x16x144xf32, #tpu.memory_space<vmem>>, vector<80x16x16xf32>
    tpu.vector_store %arg4[%swap3A_17, %swap3A_18, %swap3A_19], %dot_general3A_13 {strides = array<i32>} : memref<80x16x144xf32, #tpu.memory_space<vmem>>, vector<80x16x16xf32>,
    return
  }
  func.func @transform_0(%arg0: i32) -> (i32, i32, i32) {
    %add3A = arith.constant 55 : i32
    %add3A_0 = arith.addi %arg0, %add3A : i32
    %c0_i32 = arith.constant 0 : i32
    %c0_i32_1 = arith.constant 0 : i32
    %c0_i32_2 = arith.constant 0 : i32
    return %add3A_0, %c0_i32, %c0_i32_1 : i32, i32, i32
  }
  func.func @transform_1(%arg0: i32) -> (i32, i32, i32) {
    %add3A = arith.constant 55 : i32
    %add3A_0 = arith.addi %arg0, %add3A : i32
    %c0_i32 = arith.constant 0 : i32
    %c0_i32_1 = arith.constant 0 : i32
    %c0_i32_2 = arith.constant 0 : i32
    return %add3A_0, %c0_i32, %c0_i32_1 : i32, i32, i32
  }
  func.func @transform_2(%arg0: i32) -> (i32, i32, i32) {
    %add3A = arith.constant 55 : i32
    %add3A_0 = arith.addi %arg0, %add3A : i32
    %c0_i32 = arith.constant 0 : i32
    %c0_i32_1 = arith.constant 0 : i32
    %c0_i32_2 = arith.constant 0 : i32
    return %add3A_0, %c0_i32, %c0_i32_1 : i32, i32, i32
  }
  func.func @transform_3(%arg0: i32) -> (i32, i32, i32) {
    %c0_i32 = arith.constant 0 : i32
    %c0_i32_0 = arith.constant 0 : i32
    %c0_i32_1 = arith.constant 0 : i32
    return %arg0, %c0_i32, %c0_i32_0 : i32, i32, i32
  }
}

module attributes {stable_mosaic.version = 14 : i64} {
  func.func @_tc_body(%arg0: i32, %arg1: memref<80x32x128xf32, #tpu.memory_space<vmem>>, %arg2: memref<80x32x16xf32, #tpu.memory_space<vmem>>, %arg3: memref<80x32x16xf32, #tpu.memory_space<vmem>>, %arg4: memref<80x16x144xf32, #tpu.memory_space<vmem>>) attributes {dimension_semantics = [#tpu.dimension_semantics<arbitrary>], iteration_bounds = array<i64: 5>, scalar_prefetch = 0 : i64, scratch_operands = 0 : i64, tpu.core_type = #tpu.core_type<tc>, window_params = [{transform_indices = @transform_0, window_bounds = array<i64: 80, 32, 128>}, {transform_indices = @transform_1, window_bounds = array<i64: 80, 32, 16>}, {transform_indices = @transform_2, window_bounds = array<i64: 80, 32, 16>}, {transform_indices = @transform_3, window_bounds = array<i64: 80, 16, 144>}]} {
    %get3A = arith.constant 0 : index
    %get3A_0 = arith.constant 0 : index
    %get3A_1 = arith.constant 0 : index
    %get3A_2 = vector.load %arg2[%get3A, %get3A_0, %get3A_1] : memref<80x32x16xf32, #tpu.memory_space<vmem>>, vector<80x32x16xf32>
    %get3A_3 = arith.constant 0 : index
    %get3A_4 = arith.constant 0 : index
    %get3A_5 = arith.constant 0 : index
    %get3A_6 = vector.load %arg1[%get3A_3, %get3A_4, %get3A_5] : memref<80x32x128xf32, #tpu.memory_space<vmem>>, vector<80x32x128xf32>
    %dot_general3A = arith.constant dense<0.000000e+00> : vector<80x16x128xf32>
    %dot_general3A_7 = tpu.matmul %get3A_2, %get3A_6, %dot_general3A {dimension_numbers = #tpu.dot_dimension_numbers<[1], [1], [2], [2], [0, 0, 0, 2, 1, 2], [0], [0]>, transpose_lhs_hint = false} : vector<80x32x16xf32>, vector<80x32x128xf32>, vector<80x16x128xf32> -> vector<80x16x128xf32>
    %get3A_8 = arith.constant 0 : index
    %get3A_9 = arith.constant 0 : index
    %get3A_10 = arith.constant 0 : index
    %get3A_11 = vector.load %arg3[%get3A_8, %get3A_9, %get3A_10] : memref<80x32x16xf32, #tpu.memory_space<vmem>>, vector<80x32x16xf32>
    %dot_general3A_12 = arith.constant dense<0.000000e+00> : vector<80x16x16xf32>
    %dot_general3A_13 = tpu.matmul %get3A_2, %get3A_11, %dot_general3A_12 {dimension_numbers = #tpu.dot_dimension_numbers<[1], [1], [2], [2], [0, 0, 0, 2, 1, 2], [0], [0]>, transpose_lhs_hint = false} : vector<80x32x16xf32>, vector<80x32x16xf32>, vector<80x16x16xf32> -> vector<80x16x16xf32>
    %swap3A = arith.constant 0 : index
    %swap3A_14 = arith.constant 0 : index
    %swap3A_15 = arith.constant 0 : index
    %swap3A_16 = vector.load %arg4[%swap3A, %swap3A_14, %swap3A_15] : memref<80x16x144xf32, #tpu.memory_space<vmem>>, vector<80x16x128xf32>
    tpu.vector_store %arg4[%swap3A, %swap3A_14, %swap3A_15], %dot_general3A_7 {strides = array<i32>} : memref<80x16x144xf32, #tpu.memory_space<vmem>>, vector<80x16x128xf32>,
    %swap3A_17 = arith.constant 0 : index
    %swap3A_18 = arith.constant 0 : index
    %swap3A_19 = arith.constant 128 : index
    %swap3A_20 = vector.load %arg4[%swap3A_17, %swap3A_18, %swap3A_19] : memref<80x16x144xf32, #tpu.memory_space<vmem>>, vector<80x16x16xf32>
    tpu.vector_store %arg4[%swap3A_17, %swap3A_18, %swap3A_19], %dot_general3A_13 {strides = array<i32>} : memref<80x16x144xf32, #tpu.memory_space<vmem>>, vector<80x16x16xf32>,
    return
  }
  func.func @transform_0(%arg0: i32) -> (i32, i32, i32) {
    %add3A = arith.constant 60 : i32
    %add3A_0 = arith.addi %arg0, %add3A : i32
    %c0_i32 = arith.constant 0 : i32
    %c0_i32_1 = arith.constant 0 : i32
    %c0_i32_2 = arith.constant 0 : i32
    return %add3A_0, %c0_i32, %c0_i32_1 : i32, i32, i32
  }
  func.func @transform_1(%arg0: i32) -> (i32, i32, i32) {
    %add3A = arith.constant 60 : i32
    %add3A_0 = arith.addi %arg0, %add3A : i32
    %c0_i32 = arith.constant 0 : i32
    %c0_i32_1 = arith.constant 0 : i32
    %c0_i32_2 = arith.constant 0 : i32
    return %add3A_0, %c0_i32, %c0_i32_1 : i32, i32, i32
  }
  func.func @transform_2(%arg0: i32) -> (i32, i32, i32) {
    %add3A = arith.constant 60 : i32
    %add3A_0 = arith.addi %arg0, %add3A : i32
    %c0_i32 = arith.constant 0 : i32
    %c0_i32_1 = arith.constant 0 : i32
    %c0_i32_2 = arith.constant 0 : i32
    return %add3A_0, %c0_i32, %c0_i32_1 : i32, i32, i32
  }
  func.func @transform_3(%arg0: i32) -> (i32, i32, i32) {
    %c0_i32 = arith.constant 0 : i32
    %c0_i32_0 = arith.constant 0 : i32
    %c0_i32_1 = arith.constant 0 : i32
    return %arg0, %c0_i32, %c0_i32_0 : i32, i32, i32
  }
}

module attributes {stable_mosaic.version = 14 : i64} {
  func.func @_tc_body(%arg0: i32, %arg1: memref<80x32x128xf32, #tpu.memory_space<vmem>>, %arg2: memref<80x32x16xf32, #tpu.memory_space<vmem>>, %arg3: memref<80x32x16xf32, #tpu.memory_space<vmem>>, %arg4: memref<80x16x144xf32, #tpu.memory_space<vmem>>) attributes {dimension_semantics = [#tpu.dimension_semantics<arbitrary>], iteration_bounds = array<i64: 5>, scalar_prefetch = 0 : i64, scratch_operands = 0 : i64, tpu.core_type = #tpu.core_type<tc>, window_params = [{transform_indices = @transform_0, window_bounds = array<i64: 80, 32, 128>}, {transform_indices = @transform_1, window_bounds = array<i64: 80, 32, 16>}, {transform_indices = @transform_2, window_bounds = array<i64: 80, 32, 16>}, {transform_indices = @transform_3, window_bounds = array<i64: 80, 16, 144>}]} {
    %get3A = arith.constant 0 : index
    %get3A_0 = arith.constant 0 : index
    %get3A_1 = arith.constant 0 : index
    %get3A_2 = vector.load %arg2[%get3A, %get3A_0, %get3A_1] : memref<80x32x16xf32, #tpu.memory_space<vmem>>, vector<80x32x16xf32>
    %get3A_3 = arith.constant 0 : index
    %get3A_4 = arith.constant 0 : index
    %get3A_5 = arith.constant 0 : index
    %get3A_6 = vector.load %arg1[%get3A_3, %get3A_4, %get3A_5] : memref<80x32x128xf32, #tpu.memory_space<vmem>>, vector<80x32x128xf32>
    %dot_general3A = arith.constant dense<0.000000e+00> : vector<80x16x128xf32>
    %dot_general3A_7 = tpu.matmul %get3A_2, %get3A_6, %dot_general3A {dimension_numbers = #tpu.dot_dimension_numbers<[1], [1], [2], [2], [0, 0, 0, 2, 1, 2], [0], [0]>, transpose_lhs_hint = false} : vector<80x32x16xf32>, vector<80x32x128xf32>, vector<80x16x128xf32> -> vector<80x16x128xf32>
    %get3A_8 = arith.constant 0 : index
    %get3A_9 = arith.constant 0 : index
    %get3A_10 = arith.constant 0 : index
    %get3A_11 = vector.load %arg3[%get3A_8, %get3A_9, %get3A_10] : memref<80x32x16xf32, #tpu.memory_space<vmem>>, vector<80x32x16xf32>
    %dot_general3A_12 = arith.constant dense<0.000000e+00> : vector<80x16x16xf32>
    %dot_general3A_13 = tpu.matmul %get3A_2, %get3A_11, %dot_general3A_12 {dimension_numbers = #tpu.dot_dimension_numbers<[1], [1], [2], [2], [0, 0, 0, 2, 1, 2], [0], [0]>, transpose_lhs_hint = false} : vector<80x32x16xf32>, vector<80x32x16xf32>, vector<80x16x16xf32> -> vector<80x16x16xf32>
    %swap3A = arith.constant 0 : index
    %swap3A_14 = arith.constant 0 : index
    %swap3A_15 = arith.constant 0 : index
    %swap3A_16 = vector.load %arg4[%swap3A, %swap3A_14, %swap3A_15] : memref<80x16x144xf32, #tpu.memory_space<vmem>>, vector<80x16x128xf32>
    tpu.vector_store %arg4[%swap3A, %swap3A_14, %swap3A_15], %dot_general3A_7 {strides = array<i32>} : memref<80x16x144xf32, #tpu.memory_space<vmem>>, vector<80x16x128xf32>,
    %swap3A_17 = arith.constant 0 : index
    %swap3A_18 = arith.constant 0 : index
    %swap3A_19 = arith.constant 128 : index
    %swap3A_20 = vector.load %arg4[%swap3A_17, %swap3A_18, %swap3A_19] : memref<80x16x144xf32, #tpu.memory_space<vmem>>, vector<80x16x16xf32>
    tpu.vector_store %arg4[%swap3A_17, %swap3A_18, %swap3A_19], %dot_general3A_13 {strides = array<i32>} : memref<80x16x144xf32, #tpu.memory_space<vmem>>, vector<80x16x16xf32>,
    return
  }
  func.func @transform_0(%arg0: i32) -> (i32, i32, i32) {
    %add3A = arith.constant 65 : i32
    %add3A_0 = arith.addi %arg0, %add3A : i32
    %c0_i32 = arith.constant 0 : i32
    %c0_i32_1 = arith.constant 0 : i32
    %c0_i32_2 = arith.constant 0 : i32
    return %add3A_0, %c0_i32, %c0_i32_1 : i32, i32, i32
  }
  func.func @transform_1(%arg0: i32) -> (i32, i32, i32) {
    %add3A = arith.constant 65 : i32
    %add3A_0 = arith.addi %arg0, %add3A : i32
    %c0_i32 = arith.constant 0 : i32
    %c0_i32_1 = arith.constant 0 : i32
    %c0_i32_2 = arith.constant 0 : i32
    return %add3A_0, %c0_i32, %c0_i32_1 : i32, i32, i32
  }
  func.func @transform_2(%arg0: i32) -> (i32, i32, i32) {
    %add3A = arith.constant 65 : i32
    %add3A_0 = arith.addi %arg0, %add3A : i32
    %c0_i32 = arith.constant 0 : i32
    %c0_i32_1 = arith.constant 0 : i32
    %c0_i32_2 = arith.constant 0 : i32
    return %add3A_0, %c0_i32, %c0_i32_1 : i32, i32, i32
  }
  func.func @transform_3(%arg0: i32) -> (i32, i32, i32) {
    %c0_i32 = arith.constant 0 : i32
    %c0_i32_0 = arith.constant 0 : i32
    %c0_i32_1 = arith.constant 0 : i32
    return %arg0, %c0_i32, %c0_i32_0 : i32, i32, i32
  }
}

module attributes {stable_mosaic.version = 14 : i64} {
  func.func @_tc_body(%arg0: i32, %arg1: memref<80x32x128xf32, #tpu.memory_space<vmem>>, %arg2: memref<80x32x16xf32, #tpu.memory_space<vmem>>, %arg3: memref<80x32x16xf32, #tpu.memory_space<vmem>>, %arg4: memref<80x16x144xf32, #tpu.memory_space<vmem>>) attributes {dimension_semantics = [#tpu.dimension_semantics<arbitrary>], iteration_bounds = array<i64: 5>, scalar_prefetch = 0 : i64, scratch_operands = 0 : i64, tpu.core_type = #tpu.core_type<tc>, window_params = [{transform_indices = @transform_0, window_bounds = array<i64: 80, 32, 128>}, {transform_indices = @transform_1, window_bounds = array<i64: 80, 32, 16>}, {transform_indices = @transform_2, window_bounds = array<i64: 80, 32, 16>}, {transform_indices = @transform_3, window_bounds = array<i64: 80, 16, 144>}]} {
    %get3A = arith.constant 0 : index
    %get3A_0 = arith.constant 0 : index
    %get3A_1 = arith.constant 0 : index
    %get3A_2 = vector.load %arg2[%get3A, %get3A_0, %get3A_1] : memref<80x32x16xf32, #tpu.memory_space<vmem>>, vector<80x32x16xf32>
    %get3A_3 = arith.constant 0 : index
    %get3A_4 = arith.constant 0 : index
    %get3A_5 = arith.constant 0 : index
    %get3A_6 = vector.load %arg1[%get3A_3, %get3A_4, %get3A_5] : memref<80x32x128xf32, #tpu.memory_space<vmem>>, vector<80x32x128xf32>
    %dot_general3A = arith.constant dense<0.000000e+00> : vector<80x16x128xf32>
    %dot_general3A_7 = tpu.matmul %get3A_2, %get3A_6, %dot_general3A {dimension_numbers = #tpu.dot_dimension_numbers<[1], [1], [2], [2], [0, 0, 0, 2, 1, 2], [0], [0]>, transpose_lhs_hint = false} : vector<80x32x16xf32>, vector<80x32x128xf32>, vector<80x16x128xf32> -> vector<80x16x128xf32>
    %get3A_8 = arith.constant 0 : index
    %get3A_9 = arith.constant 0 : index
    %get3A_10 = arith.constant 0 : index
    %get3A_11 = vector.load %arg3[%get3A_8, %get3A_9, %get3A_10] : memref<80x32x16xf32, #tpu.memory_space<vmem>>, vector<80x32x16xf32>
    %dot_general3A_12 = arith.constant dense<0.000000e+00> : vector<80x16x16xf32>
    %dot_general3A_13 = tpu.matmul %get3A_2, %get3A_11, %dot_general3A_12 {dimension_numbers = #tpu.dot_dimension_numbers<[1], [1], [2], [2], [0, 0, 0, 2, 1, 2], [0], [0]>, transpose_lhs_hint = false} : vector<80x32x16xf32>, vector<80x32x16xf32>, vector<80x16x16xf32> -> vector<80x16x16xf32>
    %swap3A = arith.constant 0 : index
    %swap3A_14 = arith.constant 0 : index
    %swap3A_15 = arith.constant 0 : index
    %swap3A_16 = vector.load %arg4[%swap3A, %swap3A_14, %swap3A_15] : memref<80x16x144xf32, #tpu.memory_space<vmem>>, vector<80x16x128xf32>
    tpu.vector_store %arg4[%swap3A, %swap3A_14, %swap3A_15], %dot_general3A_7 {strides = array<i32>} : memref<80x16x144xf32, #tpu.memory_space<vmem>>, vector<80x16x128xf32>,
    %swap3A_17 = arith.constant 0 : index
    %swap3A_18 = arith.constant 0 : index
    %swap3A_19 = arith.constant 128 : index
    %swap3A_20 = vector.load %arg4[%swap3A_17, %swap3A_18, %swap3A_19] : memref<80x16x144xf32, #tpu.memory_space<vmem>>, vector<80x16x16xf32>
    tpu.vector_store %arg4[%swap3A_17, %swap3A_18, %swap3A_19], %dot_general3A_13 {strides = array<i32>} : memref<80x16x144xf32, #tpu.memory_space<vmem>>, vector<80x16x16xf32>,
    return
  }
  func.func @transform_0(%arg0: i32) -> (i32, i32, i32) {
    %add3A = arith.constant 70 : i32
    %add3A_0 = arith.addi %arg0, %add3A : i32
    %c0_i32 = arith.constant 0 : i32
    %c0_i32_1 = arith.constant 0 : i32
    %c0_i32_2 = arith.constant 0 : i32
    return %add3A_0, %c0_i32, %c0_i32_1 : i32, i32, i32
  }
  func.func @transform_1(%arg0: i32) -> (i32, i32, i32) {
    %add3A = arith.constant 70 : i32
    %add3A_0 = arith.addi %arg0, %add3A : i32
    %c0_i32 = arith.constant 0 : i32
    %c0_i32_1 = arith.constant 0 : i32
    %c0_i32_2 = arith.constant 0 : i32
    return %add3A_0, %c0_i32, %c0_i32_1 : i32, i32, i32
  }
  func.func @transform_2(%arg0: i32) -> (i32, i32, i32) {
    %add3A = arith.constant 70 : i32
    %add3A_0 = arith.addi %arg0, %add3A : i32
    %c0_i32 = arith.constant 0 : i32
    %c0_i32_1 = arith.constant 0 : i32
    %c0_i32_2 = arith.constant 0 : i32
    return %add3A_0, %c0_i32, %c0_i32_1 : i32, i32, i32
  }
  func.func @transform_3(%arg0: i32) -> (i32, i32, i32) {
    %c0_i32 = arith.constant 0 : i32
    %c0_i32_0 = arith.constant 0 : i32
    %c0_i32_1 = arith.constant 0 : i32
    return %arg0, %c0_i32, %c0_i32_0 : i32, i32, i32
  }
}

module attributes {stable_mosaic.version = 14 : i64} {
  func.func @_tc_body(%arg0: i32, %arg1: memref<80x32x128xf32, #tpu.memory_space<vmem>>, %arg2: memref<80x32x16xf32, #tpu.memory_space<vmem>>, %arg3: memref<80x32x16xf32, #tpu.memory_space<vmem>>, %arg4: memref<80x16x144xf32, #tpu.memory_space<vmem>>) attributes {dimension_semantics = [#tpu.dimension_semantics<arbitrary>], iteration_bounds = array<i64: 5>, scalar_prefetch = 0 : i64, scratch_operands = 0 : i64, tpu.core_type = #tpu.core_type<tc>, window_params = [{transform_indices = @transform_0, window_bounds = array<i64: 80, 32, 128>}, {transform_indices = @transform_1, window_bounds = array<i64: 80, 32, 16>}, {transform_indices = @transform_2, window_bounds = array<i64: 80, 32, 16>}, {transform_indices = @transform_3, window_bounds = array<i64: 80, 16, 144>}]} {
    %get3A = arith.constant 0 : index
    %get3A_0 = arith.constant 0 : index
    %get3A_1 = arith.constant 0 : index
    %get3A_2 = vector.load %arg2[%get3A, %get3A_0, %get3A_1] : memref<80x32x16xf32, #tpu.memory_space<vmem>>, vector<80x32x16xf32>
    %get3A_3 = arith.constant 0 : index
    %get3A_4 = arith.constant 0 : index
    %get3A_5 = arith.constant 0 : index
    %get3A_6 = vector.load %arg1[%get3A_3, %get3A_4, %get3A_5] : memref<80x32x128xf32, #tpu.memory_space<vmem>>, vector<80x32x128xf32>
    %dot_general3A = arith.constant dense<0.000000e+00> : vector<80x16x128xf32>
    %dot_general3A_7 = tpu.matmul %get3A_2, %get3A_6, %dot_general3A {dimension_numbers = #tpu.dot_dimension_numbers<[1], [1], [2], [2], [0, 0, 0, 2, 1, 2], [0], [0]>, transpose_lhs_hint = false} : vector<80x32x16xf32>, vector<80x32x128xf32>, vector<80x16x128xf32> -> vector<80x16x128xf32>
    %get3A_8 = arith.constant 0 : index
    %get3A_9 = arith.constant 0 : index
    %get3A_10 = arith.constant 0 : index
    %get3A_11 = vector.load %arg3[%get3A_8, %get3A_9, %get3A_10] : memref<80x32x16xf32, #tpu.memory_space<vmem>>, vector<80x32x16xf32>
    %dot_general3A_12 = arith.constant dense<0.000000e+00> : vector<80x16x16xf32>
    %dot_general3A_13 = tpu.matmul %get3A_2, %get3A_11, %dot_general3A_12 {dimension_numbers = #tpu.dot_dimension_numbers<[1], [1], [2], [2], [0, 0, 0, 2, 1, 2], [0], [0]>, transpose_lhs_hint = false} : vector<80x32x16xf32>, vector<80x32x16xf32>, vector<80x16x16xf32> -> vector<80x16x16xf32>
    %swap3A = arith.constant 0 : index
    %swap3A_14 = arith.constant 0 : index
    %swap3A_15 = arith.constant 0 : index
    %swap3A_16 = vector.load %arg4[%swap3A, %swap3A_14, %swap3A_15] : memref<80x16x144xf32, #tpu.memory_space<vmem>>, vector<80x16x128xf32>
    tpu.vector_store %arg4[%swap3A, %swap3A_14, %swap3A_15], %dot_general3A_7 {strides = array<i32>} : memref<80x16x144xf32, #tpu.memory_space<vmem>>, vector<80x16x128xf32>,
    %swap3A_17 = arith.constant 0 : index
    %swap3A_18 = arith.constant 0 : index
    %swap3A_19 = arith.constant 128 : index
    %swap3A_20 = vector.load %arg4[%swap3A_17, %swap3A_18, %swap3A_19] : memref<80x16x144xf32, #tpu.memory_space<vmem>>, vector<80x16x16xf32>
    tpu.vector_store %arg4[%swap3A_17, %swap3A_18, %swap3A_19], %dot_general3A_13 {strides = array<i32>} : memref<80x16x144xf32, #tpu.memory_space<vmem>>, vector<80x16x16xf32>,
    return
  }
  func.func @transform_0(%arg0: i32) -> (i32, i32, i32) {
    %add3A = arith.constant 75 : i32
    %add3A_0 = arith.addi %arg0, %add3A : i32
    %c0_i32 = arith.constant 0 : i32
    %c0_i32_1 = arith.constant 0 : i32
    %c0_i32_2 = arith.constant 0 : i32
    return %add3A_0, %c0_i32, %c0_i32_1 : i32, i32, i32
  }
  func.func @transform_1(%arg0: i32) -> (i32, i32, i32) {
    %add3A = arith.constant 75 : i32
    %add3A_0 = arith.addi %arg0, %add3A : i32
    %c0_i32 = arith.constant 0 : i32
    %c0_i32_1 = arith.constant 0 : i32
    %c0_i32_2 = arith.constant 0 : i32
    return %add3A_0, %c0_i32, %c0_i32_1 : i32, i32, i32
  }
  func.func @transform_2(%arg0: i32) -> (i32, i32, i32) {
    %add3A = arith.constant 75 : i32
    %add3A_0 = arith.addi %arg0, %add3A : i32
    %c0_i32 = arith.constant 0 : i32
    %c0_i32_1 = arith.constant 0 : i32
    %c0_i32_2 = arith.constant 0 : i32
    return %add3A_0, %c0_i32, %c0_i32_1 : i32, i32, i32
  }
  func.func @transform_3(%arg0: i32) -> (i32, i32, i32) {
    %c0_i32 = arith.constant 0 : i32
    %c0_i32_0 = arith.constant 0 : i32
    %c0_i32_1 = arith.constant 0 : i32
    return %arg0, %c0_i32, %c0_i32_0 : i32, i32, i32
  }
}

module attributes {stable_mosaic.version = 14 : i64} {
  func.func @_tc_body(%arg0: i32, %arg1: memref<80x32x128xf32, #tpu.memory_space<vmem>>, %arg2: memref<80x32x16xf32, #tpu.memory_space<vmem>>, %arg3: memref<80x32x16xf32, #tpu.memory_space<vmem>>, %arg4: memref<80x16x144xf32, #tpu.memory_space<vmem>>) attributes {dimension_semantics = [#tpu.dimension_semantics<arbitrary>], iteration_bounds = array<i64: 5>, scalar_prefetch = 0 : i64, scratch_operands = 0 : i64, tpu.core_type = #tpu.core_type<tc>, window_params = [{transform_indices = @transform_0, window_bounds = array<i64: 80, 32, 128>}, {transform_indices = @transform_1, window_bounds = array<i64: 80, 32, 16>}, {transform_indices = @transform_2, window_bounds = array<i64: 80, 32, 16>}, {transform_indices = @transform_3, window_bounds = array<i64: 80, 16, 144>}]} {
    %get3A = arith.constant 0 : index
    %get3A_0 = arith.constant 0 : index
    %get3A_1 = arith.constant 0 : index
    %get3A_2 = vector.load %arg2[%get3A, %get3A_0, %get3A_1] : memref<80x32x16xf32, #tpu.memory_space<vmem>>, vector<80x32x16xf32>
    %get3A_3 = arith.constant 0 : index
    %get3A_4 = arith.constant 0 : index
    %get3A_5 = arith.constant 0 : index
    %get3A_6 = vector.load %arg1[%get3A_3, %get3A_4, %get3A_5] : memref<80x32x128xf32, #tpu.memory_space<vmem>>, vector<80x32x128xf32>
    %dot_general3A = arith.constant dense<0.000000e+00> : vector<80x16x128xf32>
    %dot_general3A_7 = tpu.matmul %get3A_2, %get3A_6, %dot_general3A {dimension_numbers = #tpu.dot_dimension_numbers<[1], [1], [2], [2], [0, 0, 0, 2, 1, 2], [0], [0]>, transpose_lhs_hint = false} : vector<80x32x16xf32>, vector<80x32x128xf32>, vector<80x16x128xf32> -> vector<80x16x128xf32>
    %get3A_8 = arith.constant 0 : index
    %get3A_9 = arith.constant 0 : index
    %get3A_10 = arith.constant 0 : index
    %get3A_11 = vector.load %arg3[%get3A_8, %get3A_9, %get3A_10] : memref<80x32x16xf32, #tpu.memory_space<vmem>>, vector<80x32x16xf32>
    %dot_general3A_12 = arith.constant dense<0.000000e+00> : vector<80x16x16xf32>
    %dot_general3A_13 = tpu.matmul %get3A_2, %get3A_11, %dot_general3A_12 {dimension_numbers = #tpu.dot_dimension_numbers<[1], [1], [2], [2], [0, 0, 0, 2, 1, 2], [0], [0]>, transpose_lhs_hint = false} : vector<80x32x16xf32>, vector<80x32x16xf32>, vector<80x16x16xf32> -> vector<80x16x16xf32>
    %swap3A = arith.constant 0 : index
    %swap3A_14 = arith.constant 0 : index
    %swap3A_15 = arith.constant 0 : index
    %swap3A_16 = vector.load %arg4[%swap3A, %swap3A_14, %swap3A_15] : memref<80x16x144xf32, #tpu.memory_space<vmem>>, vector<80x16x128xf32>
    tpu.vector_store %arg4[%swap3A, %swap3A_14, %swap3A_15], %dot_general3A_7 {strides = array<i32>} : memref<80x16x144xf32, #tpu.memory_space<vmem>>, vector<80x16x128xf32>,
    %swap3A_17 = arith.constant 0 : index
    %swap3A_18 = arith.constant 0 : index
    %swap3A_19 = arith.constant 128 : index
    %swap3A_20 = vector.load %arg4[%swap3A_17, %swap3A_18, %swap3A_19] : memref<80x16x144xf32, #tpu.memory_space<vmem>>, vector<80x16x16xf32>
    tpu.vector_store %arg4[%swap3A_17, %swap3A_18, %swap3A_19], %dot_general3A_13 {strides = array<i32>} : memref<80x16x144xf32, #tpu.memory_space<vmem>>, vector<80x16x16xf32>,
    return
  }
  func.func @transform_0(%arg0: i32) -> (i32, i32, i32) {
    %add3A = arith.constant 80 : i32
    %add3A_0 = arith.addi %arg0, %add3A : i32
    %c0_i32 = arith.constant 0 : i32
    %c0_i32_1 = arith.constant 0 : i32
    %c0_i32_2 = arith.constant 0 : i32
    return %add3A_0, %c0_i32, %c0_i32_1 : i32, i32, i32
  }
  func.func @transform_1(%arg0: i32) -> (i32, i32, i32) {
    %add3A = arith.constant 80 : i32
    %add3A_0 = arith.addi %arg0, %add3A : i32
    %c0_i32 = arith.constant 0 : i32
    %c0_i32_1 = arith.constant 0 : i32
    %c0_i32_2 = arith.constant 0 : i32
    return %add3A_0, %c0_i32, %c0_i32_1 : i32, i32, i32
  }
  func.func @transform_2(%arg0: i32) -> (i32, i32, i32) {
    %add3A = arith.constant 80 : i32
    %add3A_0 = arith.addi %arg0, %add3A : i32
    %c0_i32 = arith.constant 0 : i32
    %c0_i32_1 = arith.constant 0 : i32
    %c0_i32_2 = arith.constant 0 : i32
    return %add3A_0, %c0_i32, %c0_i32_1 : i32, i32, i32
  }
  func.func @transform_3(%arg0: i32) -> (i32, i32, i32) {
    %c0_i32 = arith.constant 0 : i32
    %c0_i32_0 = arith.constant 0 : i32
    %c0_i32_1 = arith.constant 0 : i32
    return %arg0, %c0_i32, %c0_i32_0 : i32, i32, i32
  }
}

module attributes {stable_mosaic.version = 14 : i64} {
  func.func @_tc_body(%arg0: i32, %arg1: memref<80x32x128xf32, #tpu.memory_space<vmem>>, %arg2: memref<80x32x16xf32, #tpu.memory_space<vmem>>, %arg3: memref<80x32x16xf32, #tpu.memory_space<vmem>>, %arg4: memref<80x16x144xf32, #tpu.memory_space<vmem>>) attributes {dimension_semantics = [#tpu.dimension_semantics<arbitrary>], iteration_bounds = array<i64: 5>, scalar_prefetch = 0 : i64, scratch_operands = 0 : i64, tpu.core_type = #tpu.core_type<tc>, window_params = [{transform_indices = @transform_0, window_bounds = array<i64: 80, 32, 128>}, {transform_indices = @transform_1, window_bounds = array<i64: 80, 32, 16>}, {transform_indices = @transform_2, window_bounds = array<i64: 80, 32, 16>}, {transform_indices = @transform_3, window_bounds = array<i64: 80, 16, 144>}]} {
    %get3A = arith.constant 0 : index
    %get3A_0 = arith.constant 0 : index
    %get3A_1 = arith.constant 0 : index
    %get3A_2 = vector.load %arg2[%get3A, %get3A_0, %get3A_1] : memref<80x32x16xf32, #tpu.memory_space<vmem>>, vector<80x32x16xf32>
    %get3A_3 = arith.constant 0 : index
    %get3A_4 = arith.constant 0 : index
    %get3A_5 = arith.constant 0 : index
    %get3A_6 = vector.load %arg1[%get3A_3, %get3A_4, %get3A_5] : memref<80x32x128xf32, #tpu.memory_space<vmem>>, vector<80x32x128xf32>
    %dot_general3A = arith.constant dense<0.000000e+00> : vector<80x16x128xf32>
    %dot_general3A_7 = tpu.matmul %get3A_2, %get3A_6, %dot_general3A {dimension_numbers = #tpu.dot_dimension_numbers<[1], [1], [2], [2], [0, 0, 0, 2, 1, 2], [0], [0]>, transpose_lhs_hint = false} : vector<80x32x16xf32>, vector<80x32x128xf32>, vector<80x16x128xf32> -> vector<80x16x128xf32>
    %get3A_8 = arith.constant 0 : index
    %get3A_9 = arith.constant 0 : index
    %get3A_10 = arith.constant 0 : index
    %get3A_11 = vector.load %arg3[%get3A_8, %get3A_9, %get3A_10] : memref<80x32x16xf32, #tpu.memory_space<vmem>>, vector<80x32x16xf32>
    %dot_general3A_12 = arith.constant dense<0.000000e+00> : vector<80x16x16xf32>
    %dot_general3A_13 = tpu.matmul %get3A_2, %get3A_11, %dot_general3A_12 {dimension_numbers = #tpu.dot_dimension_numbers<[1], [1], [2], [2], [0, 0, 0, 2, 1, 2], [0], [0]>, transpose_lhs_hint = false} : vector<80x32x16xf32>, vector<80x32x16xf32>, vector<80x16x16xf32> -> vector<80x16x16xf32>
    %swap3A = arith.constant 0 : index
    %swap3A_14 = arith.constant 0 : index
    %swap3A_15 = arith.constant 0 : index
    %swap3A_16 = vector.load %arg4[%swap3A, %swap3A_14, %swap3A_15] : memref<80x16x144xf32, #tpu.memory_space<vmem>>, vector<80x16x128xf32>
    tpu.vector_store %arg4[%swap3A, %swap3A_14, %swap3A_15], %dot_general3A_7 {strides = array<i32>} : memref<80x16x144xf32, #tpu.memory_space<vmem>>, vector<80x16x128xf32>,
    %swap3A_17 = arith.constant 0 : index
    %swap3A_18 = arith.constant 0 : index
    %swap3A_19 = arith.constant 128 : index
    %swap3A_20 = vector.load %arg4[%swap3A_17, %swap3A_18, %swap3A_19] : memref<80x16x144xf32, #tpu.memory_space<vmem>>, vector<80x16x16xf32>
    tpu.vector_store %arg4[%swap3A_17, %swap3A_18, %swap3A_19], %dot_general3A_13 {strides = array<i32>} : memref<80x16x144xf32, #tpu.memory_space<vmem>>, vector<80x16x16xf32>,
    return
  }
  func.func @transform_0(%arg0: i32) -> (i32, i32, i32) {
    %add3A = arith.constant 85 : i32
    %add3A_0 = arith.addi %arg0, %add3A : i32
    %c0_i32 = arith.constant 0 : i32
    %c0_i32_1 = arith.constant 0 : i32
    %c0_i32_2 = arith.constant 0 : i32
    return %add3A_0, %c0_i32, %c0_i32_1 : i32, i32, i32
  }
  func.func @transform_1(%arg0: i32) -> (i32, i32, i32) {
    %add3A = arith.constant 85 : i32
    %add3A_0 = arith.addi %arg0, %add3A : i32
    %c0_i32 = arith.constant 0 : i32
    %c0_i32_1 = arith.constant 0 : i32
    %c0_i32_2 = arith.constant 0 : i32
    return %add3A_0, %c0_i32, %c0_i32_1 : i32, i32, i32
  }
  func.func @transform_2(%arg0: i32) -> (i32, i32, i32) {
    %add3A = arith.constant 85 : i32
    %add3A_0 = arith.addi %arg0, %add3A : i32
    %c0_i32 = arith.constant 0 : i32
    %c0_i32_1 = arith.constant 0 : i32
    %c0_i32_2 = arith.constant 0 : i32
    return %add3A_0, %c0_i32, %c0_i32_1 : i32, i32, i32
  }
  func.func @transform_3(%arg0: i32) -> (i32, i32, i32) {
    %c0_i32 = arith.constant 0 : i32
    %c0_i32_0 = arith.constant 0 : i32
    %c0_i32_1 = arith.constant 0 : i32
    return %arg0, %c0_i32, %c0_i32_0 : i32, i32, i32
  }
}

module attributes {stable_mosaic.version = 14 : i64} {
  func.func @_tc_body(%arg0: i32, %arg1: memref<80x32x128xf32, #tpu.memory_space<vmem>>, %arg2: memref<80x32x16xf32, #tpu.memory_space<vmem>>, %arg3: memref<80x32x16xf32, #tpu.memory_space<vmem>>, %arg4: memref<80x16x144xf32, #tpu.memory_space<vmem>>) attributes {dimension_semantics = [#tpu.dimension_semantics<arbitrary>], iteration_bounds = array<i64: 5>, scalar_prefetch = 0 : i64, scratch_operands = 0 : i64, tpu.core_type = #tpu.core_type<tc>, window_params = [{transform_indices = @transform_0, window_bounds = array<i64: 80, 32, 128>}, {transform_indices = @transform_1, window_bounds = array<i64: 80, 32, 16>}, {transform_indices = @transform_2, window_bounds = array<i64: 80, 32, 16>}, {transform_indices = @transform_3, window_bounds = array<i64: 80, 16, 144>}]} {
    %get3A = arith.constant 0 : index
    %get3A_0 = arith.constant 0 : index
    %get3A_1 = arith.constant 0 : index
    %get3A_2 = vector.load %arg2[%get3A, %get3A_0, %get3A_1] : memref<80x32x16xf32, #tpu.memory_space<vmem>>, vector<80x32x16xf32>
    %get3A_3 = arith.constant 0 : index
    %get3A_4 = arith.constant 0 : index
    %get3A_5 = arith.constant 0 : index
    %get3A_6 = vector.load %arg1[%get3A_3, %get3A_4, %get3A_5] : memref<80x32x128xf32, #tpu.memory_space<vmem>>, vector<80x32x128xf32>
    %dot_general3A = arith.constant dense<0.000000e+00> : vector<80x16x128xf32>
    %dot_general3A_7 = tpu.matmul %get3A_2, %get3A_6, %dot_general3A {dimension_numbers = #tpu.dot_dimension_numbers<[1], [1], [2], [2], [0, 0, 0, 2, 1, 2], [0], [0]>, transpose_lhs_hint = false} : vector<80x32x16xf32>, vector<80x32x128xf32>, vector<80x16x128xf32> -> vector<80x16x128xf32>
    %get3A_8 = arith.constant 0 : index
    %get3A_9 = arith.constant 0 : index
    %get3A_10 = arith.constant 0 : index
    %get3A_11 = vector.load %arg3[%get3A_8, %get3A_9, %get3A_10] : memref<80x32x16xf32, #tpu.memory_space<vmem>>, vector<80x32x16xf32>
    %dot_general3A_12 = arith.constant dense<0.000000e+00> : vector<80x16x16xf32>
    %dot_general3A_13 = tpu.matmul %get3A_2, %get3A_11, %dot_general3A_12 {dimension_numbers = #tpu.dot_dimension_numbers<[1], [1], [2], [2], [0, 0, 0, 2, 1, 2], [0], [0]>, transpose_lhs_hint = false} : vector<80x32x16xf32>, vector<80x32x16xf32>, vector<80x16x16xf32> -> vector<80x16x16xf32>
    %swap3A = arith.constant 0 : index
    %swap3A_14 = arith.constant 0 : index
    %swap3A_15 = arith.constant 0 : index
    %swap3A_16 = vector.load %arg4[%swap3A, %swap3A_14, %swap3A_15] : memref<80x16x144xf32, #tpu.memory_space<vmem>>, vector<80x16x128xf32>
    tpu.vector_store %arg4[%swap3A, %swap3A_14, %swap3A_15], %dot_general3A_7 {strides = array<i32>} : memref<80x16x144xf32, #tpu.memory_space<vmem>>, vector<80x16x128xf32>,
    %swap3A_17 = arith.constant 0 : index
    %swap3A_18 = arith.constant 0 : index
    %swap3A_19 = arith.constant 128 : index
    %swap3A_20 = vector.load %arg4[%swap3A_17, %swap3A_18, %swap3A_19] : memref<80x16x144xf32, #tpu.memory_space<vmem>>, vector<80x16x16xf32>
    tpu.vector_store %arg4[%swap3A_17, %swap3A_18, %swap3A_19], %dot_general3A_13 {strides = array<i32>} : memref<80x16x144xf32, #tpu.memory_space<vmem>>, vector<80x16x16xf32>,
    return
  }
  func.func @transform_0(%arg0: i32) -> (i32, i32, i32) {
    %add3A = arith.constant 0 : i32
    %add3A_0 = arith.addi %arg0, %add3A : i32
    %c0_i32 = arith.constant 0 : i32
    %c0_i32_1 = arith.constant 0 : i32
    %c0_i32_2 = arith.constant 0 : i32
    return %add3A_0, %c0_i32, %c0_i32_1 : i32, i32, i32
  }
  func.func @transform_1(%arg0: i32) -> (i32, i32, i32) {
    %add3A = arith.constant 0 : i32
    %add3A_0 = arith.addi %arg0, %add3A : i32
    %c0_i32 = arith.constant 0 : i32
    %c0_i32_1 = arith.constant 0 : i32
    %c0_i32_2 = arith.constant 0 : i32
    return %add3A_0, %c0_i32, %c0_i32_1 : i32, i32, i32
  }
  func.func @transform_2(%arg0: i32) -> (i32, i32, i32) {
    %add3A = arith.constant 0 : i32
    %add3A_0 = arith.addi %arg0, %add3A : i32
    %c0_i32 = arith.constant 0 : i32
    %c0_i32_1 = arith.constant 0 : i32
    %c0_i32_2 = arith.constant 0 : i32
    return %add3A_0, %c0_i32, %c0_i32_1 : i32, i32, i32
  }
  func.func @transform_3(%arg0: i32) -> (i32, i32, i32) {
    %c0_i32 = arith.constant 0 : i32
    %c0_i32_0 = arith.constant 0 : i32
    %c0_i32_1 = arith.constant 0 : i32
    return %arg0, %c0_i32, %c0_i32_0 : i32, i32, i32
  }
}

module attributes {stable_mosaic.version = 14 : i64} {
  func.func @_tc_body(%arg0: i32, %arg1: memref<80x32x128xf32, #tpu.memory_space<vmem>>, %arg2: memref<80x32x16xf32, #tpu.memory_space<vmem>>, %arg3: memref<80x32x16xf32, #tpu.memory_space<vmem>>, %arg4: memref<80x16x144xf32, #tpu.memory_space<vmem>>) attributes {dimension_semantics = [#tpu.dimension_semantics<arbitrary>], iteration_bounds = array<i64: 5>, scalar_prefetch = 0 : i64, scratch_operands = 0 : i64, tpu.core_type = #tpu.core_type<tc>, window_params = [{transform_indices = @transform_0, window_bounds = array<i64: 80, 32, 128>}, {transform_indices = @transform_1, window_bounds = array<i64: 80, 32, 16>}, {transform_indices = @transform_2, window_bounds = array<i64: 80, 32, 16>}, {transform_indices = @transform_3, window_bounds = array<i64: 80, 16, 144>}]} {
    %get3A = arith.constant 0 : index
    %get3A_0 = arith.constant 0 : index
    %get3A_1 = arith.constant 0 : index
    %get3A_2 = vector.load %arg2[%get3A, %get3A_0, %get3A_1] : memref<80x32x16xf32, #tpu.memory_space<vmem>>, vector<80x32x16xf32>
    %get3A_3 = arith.constant 0 : index
    %get3A_4 = arith.constant 0 : index
    %get3A_5 = arith.constant 0 : index
    %get3A_6 = vector.load %arg1[%get3A_3, %get3A_4, %get3A_5] : memref<80x32x128xf32, #tpu.memory_space<vmem>>, vector<80x32x128xf32>
    %dot_general3A = arith.constant dense<0.000000e+00> : vector<80x16x128xf32>
    %dot_general3A_7 = tpu.matmul %get3A_2, %get3A_6, %dot_general3A {dimension_numbers = #tpu.dot_dimension_numbers<[1], [1], [2], [2], [0, 0, 0, 2, 1, 2], [0], [0]>, transpose_lhs_hint = false} : vector<80x32x16xf32>, vector<80x32x128xf32>, vector<80x16x128xf32> -> vector<80x16x128xf32>
    %get3A_8 = arith.constant 0 : index
    %get3A_9 = arith.constant 0 : index
    %get3A_10 = arith.constant 0 : index
    %get3A_11 = vector.load %arg3[%get3A_8, %get3A_9, %get3A_10] : memref<80x32x16xf32, #tpu.memory_space<vmem>>, vector<80x32x16xf32>
    %dot_general3A_12 = arith.constant dense<0.000000e+00> : vector<80x16x16xf32>
    %dot_general3A_13 = tpu.matmul %get3A_2, %get3A_11, %dot_general3A_12 {dimension_numbers = #tpu.dot_dimension_numbers<[1], [1], [2], [2], [0, 0, 0, 2, 1, 2], [0], [0]>, transpose_lhs_hint = false} : vector<80x32x16xf32>, vector<80x32x16xf32>, vector<80x16x16xf32> -> vector<80x16x16xf32>
    %swap3A = arith.constant 0 : index
    %swap3A_14 = arith.constant 0 : index
    %swap3A_15 = arith.constant 0 : index
    %swap3A_16 = vector.load %arg4[%swap3A, %swap3A_14, %swap3A_15] : memref<80x16x144xf32, #tpu.memory_space<vmem>>, vector<80x16x128xf32>
    tpu.vector_store %arg4[%swap3A, %swap3A_14, %swap3A_15], %dot_general3A_7 {strides = array<i32>} : memref<80x16x144xf32, #tpu.memory_space<vmem>>, vector<80x16x128xf32>,
    %swap3A_17 = arith.constant 0 : index
    %swap3A_18 = arith.constant 0 : index
    %swap3A_19 = arith.constant 128 : index
    %swap3A_20 = vector.load %arg4[%swap3A_17, %swap3A_18, %swap3A_19] : memref<80x16x144xf32, #tpu.memory_space<vmem>>, vector<80x16x16xf32>
    tpu.vector_store %arg4[%swap3A_17, %swap3A_18, %swap3A_19], %dot_general3A_13 {strides = array<i32>} : memref<80x16x144xf32, #tpu.memory_space<vmem>>, vector<80x16x16xf32>,
    return
  }
  func.func @transform_0(%arg0: i32) -> (i32, i32, i32) {
    %add3A = arith.constant 90 : i32
    %add3A_0 = arith.addi %arg0, %add3A : i32
    %c0_i32 = arith.constant 0 : i32
    %c0_i32_1 = arith.constant 0 : i32
    %c0_i32_2 = arith.constant 0 : i32
    return %add3A_0, %c0_i32, %c0_i32_1 : i32, i32, i32
  }
  func.func @transform_1(%arg0: i32) -> (i32, i32, i32) {
    %add3A = arith.constant 90 : i32
    %add3A_0 = arith.addi %arg0, %add3A : i32
    %c0_i32 = arith.constant 0 : i32
    %c0_i32_1 = arith.constant 0 : i32
    %c0_i32_2 = arith.constant 0 : i32
    return %add3A_0, %c0_i32, %c0_i32_1 : i32, i32, i32
  }
  func.func @transform_2(%arg0: i32) -> (i32, i32, i32) {
    %add3A = arith.constant 90 : i32
    %add3A_0 = arith.addi %arg0, %add3A : i32
    %c0_i32 = arith.constant 0 : i32
    %c0_i32_1 = arith.constant 0 : i32
    %c0_i32_2 = arith.constant 0 : i32
    return %add3A_0, %c0_i32, %c0_i32_1 : i32, i32, i32
  }
  func.func @transform_3(%arg0: i32) -> (i32, i32, i32) {
    %c0_i32 = arith.constant 0 : i32
    %c0_i32_0 = arith.constant 0 : i32
    %c0_i32_1 = arith.constant 0 : i32
    return %arg0, %c0_i32, %c0_i32_0 : i32, i32, i32
  }
}

module attributes {stable_mosaic.version = 14 : i64} {
  func.func @_tc_body(%arg0: i32, %arg1: memref<80x32x128xf32, #tpu.memory_space<vmem>>, %arg2: memref<80x32x16xf32, #tpu.memory_space<vmem>>, %arg3: memref<80x32x16xf32, #tpu.memory_space<vmem>>, %arg4: memref<80x16x144xf32, #tpu.memory_space<vmem>>) attributes {dimension_semantics = [#tpu.dimension_semantics<arbitrary>], iteration_bounds = array<i64: 5>, scalar_prefetch = 0 : i64, scratch_operands = 0 : i64, tpu.core_type = #tpu.core_type<tc>, window_params = [{transform_indices = @transform_0, window_bounds = array<i64: 80, 32, 128>}, {transform_indices = @transform_1, window_bounds = array<i64: 80, 32, 16>}, {transform_indices = @transform_2, window_bounds = array<i64: 80, 32, 16>}, {transform_indices = @transform_3, window_bounds = array<i64: 80, 16, 144>}]} {
    %get3A = arith.constant 0 : index
    %get3A_0 = arith.constant 0 : index
    %get3A_1 = arith.constant 0 : index
    %get3A_2 = vector.load %arg2[%get3A, %get3A_0, %get3A_1] : memref<80x32x16xf32, #tpu.memory_space<vmem>>, vector<80x32x16xf32>
    %get3A_3 = arith.constant 0 : index
    %get3A_4 = arith.constant 0 : index
    %get3A_5 = arith.constant 0 : index
    %get3A_6 = vector.load %arg1[%get3A_3, %get3A_4, %get3A_5] : memref<80x32x128xf32, #tpu.memory_space<vmem>>, vector<80x32x128xf32>
    %dot_general3A = arith.constant dense<0.000000e+00> : vector<80x16x128xf32>
    %dot_general3A_7 = tpu.matmul %get3A_2, %get3A_6, %dot_general3A {dimension_numbers = #tpu.dot_dimension_numbers<[1], [1], [2], [2], [0, 0, 0, 2, 1, 2], [0], [0]>, transpose_lhs_hint = false} : vector<80x32x16xf32>, vector<80x32x128xf32>, vector<80x16x128xf32> -> vector<80x16x128xf32>
    %get3A_8 = arith.constant 0 : index
    %get3A_9 = arith.constant 0 : index
    %get3A_10 = arith.constant 0 : index
    %get3A_11 = vector.load %arg3[%get3A_8, %get3A_9, %get3A_10] : memref<80x32x16xf32, #tpu.memory_space<vmem>>, vector<80x32x16xf32>
    %dot_general3A_12 = arith.constant dense<0.000000e+00> : vector<80x16x16xf32>
    %dot_general3A_13 = tpu.matmul %get3A_2, %get3A_11, %dot_general3A_12 {dimension_numbers = #tpu.dot_dimension_numbers<[1], [1], [2], [2], [0, 0, 0, 2, 1, 2], [0], [0]>, transpose_lhs_hint = false} : vector<80x32x16xf32>, vector<80x32x16xf32>, vector<80x16x16xf32> -> vector<80x16x16xf32>
    %swap3A = arith.constant 0 : index
    %swap3A_14 = arith.constant 0 : index
    %swap3A_15 = arith.constant 0 : index
    %swap3A_16 = vector.load %arg4[%swap3A, %swap3A_14, %swap3A_15] : memref<80x16x144xf32, #tpu.memory_space<vmem>>, vector<80x16x128xf32>
    tpu.vector_store %arg4[%swap3A, %swap3A_14, %swap3A_15], %dot_general3A_7 {strides = array<i32>} : memref<80x16x144xf32, #tpu.memory_space<vmem>>, vector<80x16x128xf32>,
    %swap3A_17 = arith.constant 0 : index
    %swap3A_18 = arith.constant 0 : index
    %swap3A_19 = arith.constant 128 : index
    %swap3A_20 = vector.load %arg4[%swap3A_17, %swap3A_18, %swap3A_19] : memref<80x16x144xf32, #tpu.memory_space<vmem>>, vector<80x16x16xf32>
    tpu.vector_store %arg4[%swap3A_17, %swap3A_18, %swap3A_19], %dot_general3A_13 {strides = array<i32>} : memref<80x16x144xf32, #tpu.memory_space<vmem>>, vector<80x16x16xf32>,
    return
  }
  func.func @transform_0(%arg0: i32) -> (i32, i32, i32) {
    %add3A = arith.constant 95 : i32
    %add3A_0 = arith.addi %arg0, %add3A : i32
    %c0_i32 = arith.constant 0 : i32
    %c0_i32_1 = arith.constant 0 : i32
    %c0_i32_2 = arith.constant 0 : i32
    return %add3A_0, %c0_i32, %c0_i32_1 : i32, i32, i32
  }
  func.func @transform_1(%arg0: i32) -> (i32, i32, i32) {
    %add3A = arith.constant 95 : i32
    %add3A_0 = arith.addi %arg0, %add3A : i32
    %c0_i32 = arith.constant 0 : i32
    %c0_i32_1 = arith.constant 0 : i32
    %c0_i32_2 = arith.constant 0 : i32
    return %add3A_0, %c0_i32, %c0_i32_1 : i32, i32, i32
  }
  func.func @transform_2(%arg0: i32) -> (i32, i32, i32) {
    %add3A = arith.constant 95 : i32
    %add3A_0 = arith.addi %arg0, %add3A : i32
    %c0_i32 = arith.constant 0 : i32
    %c0_i32_1 = arith.constant 0 : i32
    %c0_i32_2 = arith.constant 0 : i32
    return %add3A_0, %c0_i32, %c0_i32_1 : i32, i32, i32
  }
  func.func @transform_3(%arg0: i32) -> (i32, i32, i32) {
    %c0_i32 = arith.constant 0 : i32
    %c0_i32_0 = arith.constant 0 : i32
    %c0_i32_1 = arith.constant 0 : i32
    return %arg0, %c0_i32, %c0_i32_0 : i32, i32, i32
  }
}

module attributes {stable_mosaic.version = 14 : i64} {
  func.func @_tc_body(%arg0: i32, %arg1: memref<80x32x128xf32, #tpu.memory_space<vmem>>, %arg2: memref<80x32x16xf32, #tpu.memory_space<vmem>>, %arg3: memref<80x32x16xf32, #tpu.memory_space<vmem>>, %arg4: memref<80x16x144xf32, #tpu.memory_space<vmem>>) attributes {dimension_semantics = [#tpu.dimension_semantics<arbitrary>], iteration_bounds = array<i64: 5>, scalar_prefetch = 0 : i64, scratch_operands = 0 : i64, tpu.core_type = #tpu.core_type<tc>, window_params = [{transform_indices = @transform_0, window_bounds = array<i64: 80, 32, 128>}, {transform_indices = @transform_1, window_bounds = array<i64: 80, 32, 16>}, {transform_indices = @transform_2, window_bounds = array<i64: 80, 32, 16>}, {transform_indices = @transform_3, window_bounds = array<i64: 80, 16, 144>}]} {
    %get3A = arith.constant 0 : index
    %get3A_0 = arith.constant 0 : index
    %get3A_1 = arith.constant 0 : index
    %get3A_2 = vector.load %arg2[%get3A, %get3A_0, %get3A_1] : memref<80x32x16xf32, #tpu.memory_space<vmem>>, vector<80x32x16xf32>
    %get3A_3 = arith.constant 0 : index
    %get3A_4 = arith.constant 0 : index
    %get3A_5 = arith.constant 0 : index
    %get3A_6 = vector.load %arg1[%get3A_3, %get3A_4, %get3A_5] : memref<80x32x128xf32, #tpu.memory_space<vmem>>, vector<80x32x128xf32>
    %dot_general3A = arith.constant dense<0.000000e+00> : vector<80x16x128xf32>
    %dot_general3A_7 = tpu.matmul %get3A_2, %get3A_6, %dot_general3A {dimension_numbers = #tpu.dot_dimension_numbers<[1], [1], [2], [2], [0, 0, 0, 2, 1, 2], [0], [0]>, transpose_lhs_hint = false} : vector<80x32x16xf32>, vector<80x32x128xf32>, vector<80x16x128xf32> -> vector<80x16x128xf32>
    %get3A_8 = arith.constant 0 : index
    %get3A_9 = arith.constant 0 : index
    %get3A_10 = arith.constant 0 : index
    %get3A_11 = vector.load %arg3[%get3A_8, %get3A_9, %get3A_10] : memref<80x32x16xf32, #tpu.memory_space<vmem>>, vector<80x32x16xf32>
    %dot_general3A_12 = arith.constant dense<0.000000e+00> : vector<80x16x16xf32>
    %dot_general3A_13 = tpu.matmul %get3A_2, %get3A_11, %dot_general3A_12 {dimension_numbers = #tpu.dot_dimension_numbers<[1], [1], [2], [2], [0, 0, 0, 2, 1, 2], [0], [0]>, transpose_lhs_hint = false} : vector<80x32x16xf32>, vector<80x32x16xf32>, vector<80x16x16xf32> -> vector<80x16x16xf32>
    %swap3A = arith.constant 0 : index
    %swap3A_14 = arith.constant 0 : index
    %swap3A_15 = arith.constant 0 : index
    %swap3A_16 = vector.load %arg4[%swap3A, %swap3A_14, %swap3A_15] : memref<80x16x144xf32, #tpu.memory_space<vmem>>, vector<80x16x128xf32>
    tpu.vector_store %arg4[%swap3A, %swap3A_14, %swap3A_15], %dot_general3A_7 {strides = array<i32>} : memref<80x16x144xf32, #tpu.memory_space<vmem>>, vector<80x16x128xf32>,
    %swap3A_17 = arith.constant 0 : index
    %swap3A_18 = arith.constant 0 : index
    %swap3A_19 = arith.constant 128 : index
    %swap3A_20 = vector.load %arg4[%swap3A_17, %swap3A_18, %swap3A_19] : memref<80x16x144xf32, #tpu.memory_space<vmem>>, vector<80x16x16xf32>
    tpu.vector_store %arg4[%swap3A_17, %swap3A_18, %swap3A_19], %dot_general3A_13 {strides = array<i32>} : memref<80x16x144xf32, #tpu.memory_space<vmem>>, vector<80x16x16xf32>,
    return
  }
  func.func @transform_0(%arg0: i32) -> (i32, i32, i32) {
    %add3A = arith.constant 100 : i32
    %add3A_0 = arith.addi %arg0, %add3A : i32
    %c0_i32 = arith.constant 0 : i32
    %c0_i32_1 = arith.constant 0 : i32
    %c0_i32_2 = arith.constant 0 : i32
    return %add3A_0, %c0_i32, %c0_i32_1 : i32, i32, i32
  }
  func.func @transform_1(%arg0: i32) -> (i32, i32, i32) {
    %add3A = arith.constant 100 : i32
    %add3A_0 = arith.addi %arg0, %add3A : i32
    %c0_i32 = arith.constant 0 : i32
    %c0_i32_1 = arith.constant 0 : i32
    %c0_i32_2 = arith.constant 0 : i32
    return %add3A_0, %c0_i32, %c0_i32_1 : i32, i32, i32
  }
  func.func @transform_2(%arg0: i32) -> (i32, i32, i32) {
    %add3A = arith.constant 100 : i32
    %add3A_0 = arith.addi %arg0, %add3A : i32
    %c0_i32 = arith.constant 0 : i32
    %c0_i32_1 = arith.constant 0 : i32
    %c0_i32_2 = arith.constant 0 : i32
    return %add3A_0, %c0_i32, %c0_i32_1 : i32, i32, i32
  }
  func.func @transform_3(%arg0: i32) -> (i32, i32, i32) {
    %c0_i32 = arith.constant 0 : i32
    %c0_i32_0 = arith.constant 0 : i32
    %c0_i32_1 = arith.constant 0 : i32
    return %arg0, %c0_i32, %c0_i32_0 : i32, i32, i32
  }
}

module attributes {stable_mosaic.version = 14 : i64} {
  func.func @_tc_body(%arg0: i32, %arg1: memref<80x32x128xf32, #tpu.memory_space<vmem>>, %arg2: memref<80x32x16xf32, #tpu.memory_space<vmem>>, %arg3: memref<80x32x16xf32, #tpu.memory_space<vmem>>, %arg4: memref<80x16x144xf32, #tpu.memory_space<vmem>>) attributes {dimension_semantics = [#tpu.dimension_semantics<arbitrary>], iteration_bounds = array<i64: 5>, scalar_prefetch = 0 : i64, scratch_operands = 0 : i64, tpu.core_type = #tpu.core_type<tc>, window_params = [{transform_indices = @transform_0, window_bounds = array<i64: 80, 32, 128>}, {transform_indices = @transform_1, window_bounds = array<i64: 80, 32, 16>}, {transform_indices = @transform_2, window_bounds = array<i64: 80, 32, 16>}, {transform_indices = @transform_3, window_bounds = array<i64: 80, 16, 144>}]} {
    %get3A = arith.constant 0 : index
    %get3A_0 = arith.constant 0 : index
    %get3A_1 = arith.constant 0 : index
    %get3A_2 = vector.load %arg2[%get3A, %get3A_0, %get3A_1] : memref<80x32x16xf32, #tpu.memory_space<vmem>>, vector<80x32x16xf32>
    %get3A_3 = arith.constant 0 : index
    %get3A_4 = arith.constant 0 : index
    %get3A_5 = arith.constant 0 : index
    %get3A_6 = vector.load %arg1[%get3A_3, %get3A_4, %get3A_5] : memref<80x32x128xf32, #tpu.memory_space<vmem>>, vector<80x32x128xf32>
    %dot_general3A = arith.constant dense<0.000000e+00> : vector<80x16x128xf32>
    %dot_general3A_7 = tpu.matmul %get3A_2, %get3A_6, %dot_general3A {dimension_numbers = #tpu.dot_dimension_numbers<[1], [1], [2], [2], [0, 0, 0, 2, 1, 2], [0], [0]>, transpose_lhs_hint = false} : vector<80x32x16xf32>, vector<80x32x128xf32>, vector<80x16x128xf32> -> vector<80x16x128xf32>
    %get3A_8 = arith.constant 0 : index
    %get3A_9 = arith.constant 0 : index
    %get3A_10 = arith.constant 0 : index
    %get3A_11 = vector.load %arg3[%get3A_8, %get3A_9, %get3A_10] : memref<80x32x16xf32, #tpu.memory_space<vmem>>, vector<80x32x16xf32>
    %dot_general3A_12 = arith.constant dense<0.000000e+00> : vector<80x16x16xf32>
    %dot_general3A_13 = tpu.matmul %get3A_2, %get3A_11, %dot_general3A_12 {dimension_numbers = #tpu.dot_dimension_numbers<[1], [1], [2], [2], [0, 0, 0, 2, 1, 2], [0], [0]>, transpose_lhs_hint = false} : vector<80x32x16xf32>, vector<80x32x16xf32>, vector<80x16x16xf32> -> vector<80x16x16xf32>
    %swap3A = arith.constant 0 : index
    %swap3A_14 = arith.constant 0 : index
    %swap3A_15 = arith.constant 0 : index
    %swap3A_16 = vector.load %arg4[%swap3A, %swap3A_14, %swap3A_15] : memref<80x16x144xf32, #tpu.memory_space<vmem>>, vector<80x16x128xf32>
    tpu.vector_store %arg4[%swap3A, %swap3A_14, %swap3A_15], %dot_general3A_7 {strides = array<i32>} : memref<80x16x144xf32, #tpu.memory_space<vmem>>, vector<80x16x128xf32>,
    %swap3A_17 = arith.constant 0 : index
    %swap3A_18 = arith.constant 0 : index
    %swap3A_19 = arith.constant 128 : index
    %swap3A_20 = vector.load %arg4[%swap3A_17, %swap3A_18, %swap3A_19] : memref<80x16x144xf32, #tpu.memory_space<vmem>>, vector<80x16x16xf32>
    tpu.vector_store %arg4[%swap3A_17, %swap3A_18, %swap3A_19], %dot_general3A_13 {strides = array<i32>} : memref<80x16x144xf32, #tpu.memory_space<vmem>>, vector<80x16x16xf32>,
    return
  }
  func.func @transform_0(%arg0: i32) -> (i32, i32, i32) {
    %add3A = arith.constant 105 : i32
    %add3A_0 = arith.addi %arg0, %add3A : i32
    %c0_i32 = arith.constant 0 : i32
    %c0_i32_1 = arith.constant 0 : i32
    %c0_i32_2 = arith.constant 0 : i32
    return %add3A_0, %c0_i32, %c0_i32_1 : i32, i32, i32
  }
  func.func @transform_1(%arg0: i32) -> (i32, i32, i32) {
    %add3A = arith.constant 105 : i32
    %add3A_0 = arith.addi %arg0, %add3A : i32
    %c0_i32 = arith.constant 0 : i32
    %c0_i32_1 = arith.constant 0 : i32
    %c0_i32_2 = arith.constant 0 : i32
    return %add3A_0, %c0_i32, %c0_i32_1 : i32, i32, i32
  }
  func.func @transform_2(%arg0: i32) -> (i32, i32, i32) {
    %add3A = arith.constant 105 : i32
    %add3A_0 = arith.addi %arg0, %add3A : i32
    %c0_i32 = arith.constant 0 : i32
    %c0_i32_1 = arith.constant 0 : i32
    %c0_i32_2 = arith.constant 0 : i32
    return %add3A_0, %c0_i32, %c0_i32_1 : i32, i32, i32
  }
  func.func @transform_3(%arg0: i32) -> (i32, i32, i32) {
    %c0_i32 = arith.constant 0 : i32
    %c0_i32_0 = arith.constant 0 : i32
    %c0_i32_1 = arith.constant 0 : i32
    return %arg0, %c0_i32, %c0_i32_0 : i32, i32, i32
  }
}

module attributes {stable_mosaic.version = 14 : i64} {
  func.func @_tc_body(%arg0: i32, %arg1: memref<80x32x128xf32, #tpu.memory_space<vmem>>, %arg2: memref<80x32x16xf32, #tpu.memory_space<vmem>>, %arg3: memref<80x32x16xf32, #tpu.memory_space<vmem>>, %arg4: memref<80x16x144xf32, #tpu.memory_space<vmem>>) attributes {dimension_semantics = [#tpu.dimension_semantics<arbitrary>], iteration_bounds = array<i64: 5>, scalar_prefetch = 0 : i64, scratch_operands = 0 : i64, tpu.core_type = #tpu.core_type<tc>, window_params = [{transform_indices = @transform_0, window_bounds = array<i64: 80, 32, 128>}, {transform_indices = @transform_1, window_bounds = array<i64: 80, 32, 16>}, {transform_indices = @transform_2, window_bounds = array<i64: 80, 32, 16>}, {transform_indices = @transform_3, window_bounds = array<i64: 80, 16, 144>}]} {
    %get3A = arith.constant 0 : index
    %get3A_0 = arith.constant 0 : index
    %get3A_1 = arith.constant 0 : index
    %get3A_2 = vector.load %arg2[%get3A, %get3A_0, %get3A_1] : memref<80x32x16xf32, #tpu.memory_space<vmem>>, vector<80x32x16xf32>
    %get3A_3 = arith.constant 0 : index
    %get3A_4 = arith.constant 0 : index
    %get3A_5 = arith.constant 0 : index
    %get3A_6 = vector.load %arg1[%get3A_3, %get3A_4, %get3A_5] : memref<80x32x128xf32, #tpu.memory_space<vmem>>, vector<80x32x128xf32>
    %dot_general3A = arith.constant dense<0.000000e+00> : vector<80x16x128xf32>
    %dot_general3A_7 = tpu.matmul %get3A_2, %get3A_6, %dot_general3A {dimension_numbers = #tpu.dot_dimension_numbers<[1], [1], [2], [2], [0, 0, 0, 2, 1, 2], [0], [0]>, transpose_lhs_hint = false} : vector<80x32x16xf32>, vector<80x32x128xf32>, vector<80x16x128xf32> -> vector<80x16x128xf32>
    %get3A_8 = arith.constant 0 : index
    %get3A_9 = arith.constant 0 : index
    %get3A_10 = arith.constant 0 : index
    %get3A_11 = vector.load %arg3[%get3A_8, %get3A_9, %get3A_10] : memref<80x32x16xf32, #tpu.memory_space<vmem>>, vector<80x32x16xf32>
    %dot_general3A_12 = arith.constant dense<0.000000e+00> : vector<80x16x16xf32>
    %dot_general3A_13 = tpu.matmul %get3A_2, %get3A_11, %dot_general3A_12 {dimension_numbers = #tpu.dot_dimension_numbers<[1], [1], [2], [2], [0, 0, 0, 2, 1, 2], [0], [0]>, transpose_lhs_hint = false} : vector<80x32x16xf32>, vector<80x32x16xf32>, vector<80x16x16xf32> -> vector<80x16x16xf32>
    %swap3A = arith.constant 0 : index
    %swap3A_14 = arith.constant 0 : index
    %swap3A_15 = arith.constant 0 : index
    %swap3A_16 = vector.load %arg4[%swap3A, %swap3A_14, %swap3A_15] : memref<80x16x144xf32, #tpu.memory_space<vmem>>, vector<80x16x128xf32>
    tpu.vector_store %arg4[%swap3A, %swap3A_14, %swap3A_15], %dot_general3A_7 {strides = array<i32>} : memref<80x16x144xf32, #tpu.memory_space<vmem>>, vector<80x16x128xf32>,
    %swap3A_17 = arith.constant 0 : index
    %swap3A_18 = arith.constant 0 : index
    %swap3A_19 = arith.constant 128 : index
    %swap3A_20 = vector.load %arg4[%swap3A_17, %swap3A_18, %swap3A_19] : memref<80x16x144xf32, #tpu.memory_space<vmem>>, vector<80x16x16xf32>
    tpu.vector_store %arg4[%swap3A_17, %swap3A_18, %swap3A_19], %dot_general3A_13 {strides = array<i32>} : memref<80x16x144xf32, #tpu.memory_space<vmem>>, vector<80x16x16xf32>,
    return
  }
  func.func @transform_0(%arg0: i32) -> (i32, i32, i32) {
    %add3A = arith.constant 110 : i32
    %add3A_0 = arith.addi %arg0, %add3A : i32
    %c0_i32 = arith.constant 0 : i32
    %c0_i32_1 = arith.constant 0 : i32
    %c0_i32_2 = arith.constant 0 : i32
    return %add3A_0, %c0_i32, %c0_i32_1 : i32, i32, i32
  }
  func.func @transform_1(%arg0: i32) -> (i32, i32, i32) {
    %add3A = arith.constant 110 : i32
    %add3A_0 = arith.addi %arg0, %add3A : i32
    %c0_i32 = arith.constant 0 : i32
    %c0_i32_1 = arith.constant 0 : i32
    %c0_i32_2 = arith.constant 0 : i32
    return %add3A_0, %c0_i32, %c0_i32_1 : i32, i32, i32
  }
  func.func @transform_2(%arg0: i32) -> (i32, i32, i32) {
    %add3A = arith.constant 110 : i32
    %add3A_0 = arith.addi %arg0, %add3A : i32
    %c0_i32 = arith.constant 0 : i32
    %c0_i32_1 = arith.constant 0 : i32
    %c0_i32_2 = arith.constant 0 : i32
    return %add3A_0, %c0_i32, %c0_i32_1 : i32, i32, i32
  }
  func.func @transform_3(%arg0: i32) -> (i32, i32, i32) {
    %c0_i32 = arith.constant 0 : i32
    %c0_i32_0 = arith.constant 0 : i32
    %c0_i32_1 = arith.constant 0 : i32
    return %arg0, %c0_i32, %c0_i32_0 : i32, i32, i32
  }
}

module attributes {stable_mosaic.version = 14 : i64} {
  func.func @_tc_body(%arg0: i32, %arg1: memref<80x32x128xf32, #tpu.memory_space<vmem>>, %arg2: memref<80x32x16xf32, #tpu.memory_space<vmem>>, %arg3: memref<80x32x16xf32, #tpu.memory_space<vmem>>, %arg4: memref<80x16x144xf32, #tpu.memory_space<vmem>>) attributes {dimension_semantics = [#tpu.dimension_semantics<arbitrary>], iteration_bounds = array<i64: 5>, scalar_prefetch = 0 : i64, scratch_operands = 0 : i64, tpu.core_type = #tpu.core_type<tc>, window_params = [{transform_indices = @transform_0, window_bounds = array<i64: 80, 32, 128>}, {transform_indices = @transform_1, window_bounds = array<i64: 80, 32, 16>}, {transform_indices = @transform_2, window_bounds = array<i64: 80, 32, 16>}, {transform_indices = @transform_3, window_bounds = array<i64: 80, 16, 144>}]} {
    %get3A = arith.constant 0 : index
    %get3A_0 = arith.constant 0 : index
    %get3A_1 = arith.constant 0 : index
    %get3A_2 = vector.load %arg2[%get3A, %get3A_0, %get3A_1] : memref<80x32x16xf32, #tpu.memory_space<vmem>>, vector<80x32x16xf32>
    %get3A_3 = arith.constant 0 : index
    %get3A_4 = arith.constant 0 : index
    %get3A_5 = arith.constant 0 : index
    %get3A_6 = vector.load %arg1[%get3A_3, %get3A_4, %get3A_5] : memref<80x32x128xf32, #tpu.memory_space<vmem>>, vector<80x32x128xf32>
    %dot_general3A = arith.constant dense<0.000000e+00> : vector<80x16x128xf32>
    %dot_general3A_7 = tpu.matmul %get3A_2, %get3A_6, %dot_general3A {dimension_numbers = #tpu.dot_dimension_numbers<[1], [1], [2], [2], [0, 0, 0, 2, 1, 2], [0], [0]>, transpose_lhs_hint = false} : vector<80x32x16xf32>, vector<80x32x128xf32>, vector<80x16x128xf32> -> vector<80x16x128xf32>
    %get3A_8 = arith.constant 0 : index
    %get3A_9 = arith.constant 0 : index
    %get3A_10 = arith.constant 0 : index
    %get3A_11 = vector.load %arg3[%get3A_8, %get3A_9, %get3A_10] : memref<80x32x16xf32, #tpu.memory_space<vmem>>, vector<80x32x16xf32>
    %dot_general3A_12 = arith.constant dense<0.000000e+00> : vector<80x16x16xf32>
    %dot_general3A_13 = tpu.matmul %get3A_2, %get3A_11, %dot_general3A_12 {dimension_numbers = #tpu.dot_dimension_numbers<[1], [1], [2], [2], [0, 0, 0, 2, 1, 2], [0], [0]>, transpose_lhs_hint = false} : vector<80x32x16xf32>, vector<80x32x16xf32>, vector<80x16x16xf32> -> vector<80x16x16xf32>
    %swap3A = arith.constant 0 : index
    %swap3A_14 = arith.constant 0 : index
    %swap3A_15 = arith.constant 0 : index
    %swap3A_16 = vector.load %arg4[%swap3A, %swap3A_14, %swap3A_15] : memref<80x16x144xf32, #tpu.memory_space<vmem>>, vector<80x16x128xf32>
    tpu.vector_store %arg4[%swap3A, %swap3A_14, %swap3A_15], %dot_general3A_7 {strides = array<i32>} : memref<80x16x144xf32, #tpu.memory_space<vmem>>, vector<80x16x128xf32>,
    %swap3A_17 = arith.constant 0 : index
    %swap3A_18 = arith.constant 0 : index
    %swap3A_19 = arith.constant 128 : index
    %swap3A_20 = vector.load %arg4[%swap3A_17, %swap3A_18, %swap3A_19] : memref<80x16x144xf32, #tpu.memory_space<vmem>>, vector<80x16x16xf32>
    tpu.vector_store %arg4[%swap3A_17, %swap3A_18, %swap3A_19], %dot_general3A_13 {strides = array<i32>} : memref<80x16x144xf32, #tpu.memory_space<vmem>>, vector<80x16x16xf32>,
    return
  }
  func.func @transform_0(%arg0: i32) -> (i32, i32, i32) {
    %add3A = arith.constant 115 : i32
    %add3A_0 = arith.addi %arg0, %add3A : i32
    %c0_i32 = arith.constant 0 : i32
    %c0_i32_1 = arith.constant 0 : i32
    %c0_i32_2 = arith.constant 0 : i32
    return %add3A_0, %c0_i32, %c0_i32_1 : i32, i32, i32
  }
  func.func @transform_1(%arg0: i32) -> (i32, i32, i32) {
    %add3A = arith.constant 115 : i32
    %add3A_0 = arith.addi %arg0, %add3A : i32
    %c0_i32 = arith.constant 0 : i32
    %c0_i32_1 = arith.constant 0 : i32
    %c0_i32_2 = arith.constant 0 : i32
    return %add3A_0, %c0_i32, %c0_i32_1 : i32, i32, i32
  }
  func.func @transform_2(%arg0: i32) -> (i32, i32, i32) {
    %add3A = arith.constant 115 : i32
    %add3A_0 = arith.addi %arg0, %add3A : i32
    %c0_i32 = arith.constant 0 : i32
    %c0_i32_1 = arith.constant 0 : i32
    %c0_i32_2 = arith.constant 0 : i32
    return %add3A_0, %c0_i32, %c0_i32_1 : i32, i32, i32
  }
  func.func @transform_3(%arg0: i32) -> (i32, i32, i32) {
    %c0_i32 = arith.constant 0 : i32
    %c0_i32_0 = arith.constant 0 : i32
    %c0_i32_1 = arith.constant 0 : i32
    return %arg0, %c0_i32, %c0_i32_0 : i32, i32, i32
  }
}

module attributes {stable_mosaic.version = 14 : i64} {
  func.func @_tc_body(%arg0: i32, %arg1: memref<80x32x128xf32, #tpu.memory_space<vmem>>, %arg2: memref<80x32x16xf32, #tpu.memory_space<vmem>>, %arg3: memref<80x32x16xf32, #tpu.memory_space<vmem>>, %arg4: memref<80x16x144xf32, #tpu.memory_space<vmem>>) attributes {dimension_semantics = [#tpu.dimension_semantics<arbitrary>], iteration_bounds = array<i64: 5>, scalar_prefetch = 0 : i64, scratch_operands = 0 : i64, tpu.core_type = #tpu.core_type<tc>, window_params = [{transform_indices = @transform_0, window_bounds = array<i64: 80, 32, 128>}, {transform_indices = @transform_1, window_bounds = array<i64: 80, 32, 16>}, {transform_indices = @transform_2, window_bounds = array<i64: 80, 32, 16>}, {transform_indices = @transform_3, window_bounds = array<i64: 80, 16, 144>}]} {
    %get3A = arith.constant 0 : index
    %get3A_0 = arith.constant 0 : index
    %get3A_1 = arith.constant 0 : index
    %get3A_2 = vector.load %arg2[%get3A, %get3A_0, %get3A_1] : memref<80x32x16xf32, #tpu.memory_space<vmem>>, vector<80x32x16xf32>
    %get3A_3 = arith.constant 0 : index
    %get3A_4 = arith.constant 0 : index
    %get3A_5 = arith.constant 0 : index
    %get3A_6 = vector.load %arg1[%get3A_3, %get3A_4, %get3A_5] : memref<80x32x128xf32, #tpu.memory_space<vmem>>, vector<80x32x128xf32>
    %dot_general3A = arith.constant dense<0.000000e+00> : vector<80x16x128xf32>
    %dot_general3A_7 = tpu.matmul %get3A_2, %get3A_6, %dot_general3A {dimension_numbers = #tpu.dot_dimension_numbers<[1], [1], [2], [2], [0, 0, 0, 2, 1, 2], [0], [0]>, transpose_lhs_hint = false} : vector<80x32x16xf32>, vector<80x32x128xf32>, vector<80x16x128xf32> -> vector<80x16x128xf32>
    %get3A_8 = arith.constant 0 : index
    %get3A_9 = arith.constant 0 : index
    %get3A_10 = arith.constant 0 : index
    %get3A_11 = vector.load %arg3[%get3A_8, %get3A_9, %get3A_10] : memref<80x32x16xf32, #tpu.memory_space<vmem>>, vector<80x32x16xf32>
    %dot_general3A_12 = arith.constant dense<0.000000e+00> : vector<80x16x16xf32>
    %dot_general3A_13 = tpu.matmul %get3A_2, %get3A_11, %dot_general3A_12 {dimension_numbers = #tpu.dot_dimension_numbers<[1], [1], [2], [2], [0, 0, 0, 2, 1, 2], [0], [0]>, transpose_lhs_hint = false} : vector<80x32x16xf32>, vector<80x32x16xf32>, vector<80x16x16xf32> -> vector<80x16x16xf32>
    %swap3A = arith.constant 0 : index
    %swap3A_14 = arith.constant 0 : index
    %swap3A_15 = arith.constant 0 : index
    %swap3A_16 = vector.load %arg4[%swap3A, %swap3A_14, %swap3A_15] : memref<80x16x144xf32, #tpu.memory_space<vmem>>, vector<80x16x128xf32>
    tpu.vector_store %arg4[%swap3A, %swap3A_14, %swap3A_15], %dot_general3A_7 {strides = array<i32>} : memref<80x16x144xf32, #tpu.memory_space<vmem>>, vector<80x16x128xf32>,
    %swap3A_17 = arith.constant 0 : index
    %swap3A_18 = arith.constant 0 : index
    %swap3A_19 = arith.constant 128 : index
    %swap3A_20 = vector.load %arg4[%swap3A_17, %swap3A_18, %swap3A_19] : memref<80x16x144xf32, #tpu.memory_space<vmem>>, vector<80x16x16xf32>
    tpu.vector_store %arg4[%swap3A_17, %swap3A_18, %swap3A_19], %dot_general3A_13 {strides = array<i32>} : memref<80x16x144xf32, #tpu.memory_space<vmem>>, vector<80x16x16xf32>,
    return
  }
  func.func @transform_0(%arg0: i32) -> (i32, i32, i32) {
    %add3A = arith.constant 120 : i32
    %add3A_0 = arith.addi %arg0, %add3A : i32
    %c0_i32 = arith.constant 0 : i32
    %c0_i32_1 = arith.constant 0 : i32
    %c0_i32_2 = arith.constant 0 : i32
    return %add3A_0, %c0_i32, %c0_i32_1 : i32, i32, i32
  }
  func.func @transform_1(%arg0: i32) -> (i32, i32, i32) {
    %add3A = arith.constant 120 : i32
    %add3A_0 = arith.addi %arg0, %add3A : i32
    %c0_i32 = arith.constant 0 : i32
    %c0_i32_1 = arith.constant 0 : i32
    %c0_i32_2 = arith.constant 0 : i32
    return %add3A_0, %c0_i32, %c0_i32_1 : i32, i32, i32
  }
  func.func @transform_2(%arg0: i32) -> (i32, i32, i32) {
    %add3A = arith.constant 120 : i32
    %add3A_0 = arith.addi %arg0, %add3A : i32
    %c0_i32 = arith.constant 0 : i32
    %c0_i32_1 = arith.constant 0 : i32
    %c0_i32_2 = arith.constant 0 : i32
    return %add3A_0, %c0_i32, %c0_i32_1 : i32, i32, i32
  }
  func.func @transform_3(%arg0: i32) -> (i32, i32, i32) {
    %c0_i32 = arith.constant 0 : i32
    %c0_i32_0 = arith.constant 0 : i32
    %c0_i32_1 = arith.constant 0 : i32
    return %arg0, %c0_i32, %c0_i32_0 : i32, i32, i32
  }
}

module attributes {stable_mosaic.version = 14 : i64} {
  func.func @_tc_body(%arg0: i32, %arg1: memref<80x32x128xf32, #tpu.memory_space<vmem>>, %arg2: memref<80x32x16xf32, #tpu.memory_space<vmem>>, %arg3: memref<80x32x16xf32, #tpu.memory_space<vmem>>, %arg4: memref<80x16x144xf32, #tpu.memory_space<vmem>>) attributes {dimension_semantics = [#tpu.dimension_semantics<arbitrary>], iteration_bounds = array<i64: 5>, scalar_prefetch = 0 : i64, scratch_operands = 0 : i64, tpu.core_type = #tpu.core_type<tc>, window_params = [{transform_indices = @transform_0, window_bounds = array<i64: 80, 32, 128>}, {transform_indices = @transform_1, window_bounds = array<i64: 80, 32, 16>}, {transform_indices = @transform_2, window_bounds = array<i64: 80, 32, 16>}, {transform_indices = @transform_3, window_bounds = array<i64: 80, 16, 144>}]} {
    %get3A = arith.constant 0 : index
    %get3A_0 = arith.constant 0 : index
    %get3A_1 = arith.constant 0 : index
    %get3A_2 = vector.load %arg2[%get3A, %get3A_0, %get3A_1] : memref<80x32x16xf32, #tpu.memory_space<vmem>>, vector<80x32x16xf32>
    %get3A_3 = arith.constant 0 : index
    %get3A_4 = arith.constant 0 : index
    %get3A_5 = arith.constant 0 : index
    %get3A_6 = vector.load %arg1[%get3A_3, %get3A_4, %get3A_5] : memref<80x32x128xf32, #tpu.memory_space<vmem>>, vector<80x32x128xf32>
    %dot_general3A = arith.constant dense<0.000000e+00> : vector<80x16x128xf32>
    %dot_general3A_7 = tpu.matmul %get3A_2, %get3A_6, %dot_general3A {dimension_numbers = #tpu.dot_dimension_numbers<[1], [1], [2], [2], [0, 0, 0, 2, 1, 2], [0], [0]>, transpose_lhs_hint = false} : vector<80x32x16xf32>, vector<80x32x128xf32>, vector<80x16x128xf32> -> vector<80x16x128xf32>
    %get3A_8 = arith.constant 0 : index
    %get3A_9 = arith.constant 0 : index
    %get3A_10 = arith.constant 0 : index
    %get3A_11 = vector.load %arg3[%get3A_8, %get3A_9, %get3A_10] : memref<80x32x16xf32, #tpu.memory_space<vmem>>, vector<80x32x16xf32>
    %dot_general3A_12 = arith.constant dense<0.000000e+00> : vector<80x16x16xf32>
    %dot_general3A_13 = tpu.matmul %get3A_2, %get3A_11, %dot_general3A_12 {dimension_numbers = #tpu.dot_dimension_numbers<[1], [1], [2], [2], [0, 0, 0, 2, 1, 2], [0], [0]>, transpose_lhs_hint = false} : vector<80x32x16xf32>, vector<80x32x16xf32>, vector<80x16x16xf32> -> vector<80x16x16xf32>
    %swap3A = arith.constant 0 : index
    %swap3A_14 = arith.constant 0 : index
    %swap3A_15 = arith.constant 0 : index
    %swap3A_16 = vector.load %arg4[%swap3A, %swap3A_14, %swap3A_15] : memref<80x16x144xf32, #tpu.memory_space<vmem>>, vector<80x16x128xf32>
    tpu.vector_store %arg4[%swap3A, %swap3A_14, %swap3A_15], %dot_general3A_7 {strides = array<i32>} : memref<80x16x144xf32, #tpu.memory_space<vmem>>, vector<80x16x128xf32>,
    %swap3A_17 = arith.constant 0 : index
    %swap3A_18 = arith.constant 0 : index
    %swap3A_19 = arith.constant 128 : index
    %swap3A_20 = vector.load %arg4[%swap3A_17, %swap3A_18, %swap3A_19] : memref<80x16x144xf32, #tpu.memory_space<vmem>>, vector<80x16x16xf32>
    tpu.vector_store %arg4[%swap3A_17, %swap3A_18, %swap3A_19], %dot_general3A_13 {strides = array<i32>} : memref<80x16x144xf32, #tpu.memory_space<vmem>>, vector<80x16x16xf32>,
    return
  }
  func.func @transform_0(%arg0: i32) -> (i32, i32, i32) {
    %add3A = arith.constant 5 : i32
    %add3A_0 = arith.addi %arg0, %add3A : i32
    %c0_i32 = arith.constant 0 : i32
    %c0_i32_1 = arith.constant 0 : i32
    %c0_i32_2 = arith.constant 0 : i32
    return %add3A_0, %c0_i32, %c0_i32_1 : i32, i32, i32
  }
  func.func @transform_1(%arg0: i32) -> (i32, i32, i32) {
    %add3A = arith.constant 5 : i32
    %add3A_0 = arith.addi %arg0, %add3A : i32
    %c0_i32 = arith.constant 0 : i32
    %c0_i32_1 = arith.constant 0 : i32
    %c0_i32_2 = arith.constant 0 : i32
    return %add3A_0, %c0_i32, %c0_i32_1 : i32, i32, i32
  }
  func.func @transform_2(%arg0: i32) -> (i32, i32, i32) {
    %add3A = arith.constant 5 : i32
    %add3A_0 = arith.addi %arg0, %add3A : i32
    %c0_i32 = arith.constant 0 : i32
    %c0_i32_1 = arith.constant 0 : i32
    %c0_i32_2 = arith.constant 0 : i32
    return %add3A_0, %c0_i32, %c0_i32_1 : i32, i32, i32
  }
  func.func @transform_3(%arg0: i32) -> (i32, i32, i32) {
    %c0_i32 = arith.constant 0 : i32
    %c0_i32_0 = arith.constant 0 : i32
    %c0_i32_1 = arith.constant 0 : i32
    return %arg0, %c0_i32, %c0_i32_0 : i32, i32, i32
  }
}

</mosaic_0001>

<sc_bundles>
// kernel: kernel.28.cloned.1.call-start
scs
__scs_entry_jumppad:
0x0: {  	(pc) =	sbr.rel $0x88, $3  }
0x1: {  	(tag) =	ssettag $0x0;
	lr =	simm.s32 $0x1  }
0x2: {  	[smem:$0x3F9D] =	sst lr;
	_ =	strace $0xD0000000  }
0x3: {  	_ = 	snop  }
0x4: {  	_ = 	snop  }
0x5: {  	_ = 	snop  }
0x6: {  	_ = 	snop  }
0x7: {  	_ = 	snop  }
__scs_overlays_trampoline_lowered:
0x8: {  	[smem:$0x3FAC] =	sst s0  }
0x9: {  	[smem:$0x3FAD] =	sst s1  }
0xa: {  	[smem:$0x3FAE] =	sst s2  }
0xb: {  	[smem:$0x3FAF] =	sst s3  }
0xc: {  	[smem:$0x3FB0] =	sst s4  }
0xd: {  	[smem:$0x3FB1] =	sst s5  }
0xe: {  	[smem:$0x3FB2] =	sst s6  }
0xf: {  	[smem:$0x3FB3] =	sst s7  }
0x10: {  	[smem:$0x3FB4] =	sst s8  }
0x11: {  	[smem:$0x3FB5] =	sst s9;
	s0 =	simm.s32 @!p0 $0x0  }
0x12: {  	s1 =	sld [smem:$0x3F9B];
	s0 =	simm.s32 @p0 $0x1  }
0x13: {  	[smem:$0x3FB6] =	sst s0;
	s0 =	simm.s32 @!p1 $0x0  }
0x14: {  	s2 =	sld [smem:$0x3F9A];
	s0 =	simm.s32 @p1 $0x1  }
0x15: {  	[smem:$0x3FB7] =	sst s0;
	s0 =	simm.s32 @!p2 $0x0  }
0x16: {  	s3 =	sld [smem:$0x3FDB];
	s0 =	simm.s32 @p2 $0x1  }
0x17: {  	s4 =	simm.s32 $0x1BF5;
	[smem:$0x3FB9] =	sst s0  }
0x18: {  	s0 =	sld [smem:$0x3F9C];
	_ =	swait.ge [sflag:s4], $0x0  }
0x19: {  	s7 =	sld [smem:$0x3F9D]  }
0x1a: {  	s8 =	sadd.s32 $0xFFFFE003, lr  }
0x1b: {  	s9 =	sadd.s32 $0xFFFFFEF7, lr;
	s5 =	simm.s32 $0xFFFFFFFF;
	p2 =	slt.u32 s8, $0xFFFFF086  }
0x1c: {  	p1 =	slt.u32 s9, $0xF7A;
	s5 =	simm.s32 @!p2 $0x0  }
0x1d: {  	s5 =	simm.s32 @p1 $0x1;
	p0 =	seq.s32 s7, s2  }
0x1e: {  	s7 =	smul.u32 @!p0 $0xF7A, s2;
	p2 =	seq.s32 @!p0 s5, $0x0  }
0x1f: {  	s9 =	smul.u32 $0xF7A, s1;
	s8 =	simm.s32 @!p0 $0x1BF5;
	p2 =	por !p2, p0  }
0x20: {  	[sflag:s8] =	ssyncset.s32 @!p0 $0xFFFFF086;
	s6 =	sadd.s32 @!p0 s3, s7;
	s7 =	simm.s32 @!p0 $0x108  }
0x21: {  	s3 =	sadd.s32 s3, s9;
	s6 =	sadd.s32 @!p0 $0x88, s6;
	s7 =	simm.s32 @p2 $0x1082  }
0x22: {  	[simem:s7], [sflag:s8] =	dma.local @!p0 [hbm:s6], $0xF7A  }
0x23: {  	s9 =	sor.u32 $0xD0000000, s2;
	s6 =	simm.s32 $0x108;
	_ =	swait.ge @!p0 [sflag:s8], $0x0  }
0x24: {  	s3 =	sadd.s32 $0x88, s3;
	s6 =	simm.s32 @!p1 $0x1082;
	[sflag:s4] =	ssyncset.s32 $0xFFFFF086  }
0x25: {  	[simem:s6], [sflag:s4] =	dma.local [hbm:s3], $0xF7A  }
0x26: {  	[smem:$0x3F9D] =	sst s1;
	(tag) =	ssettag s2;
	_ =	strace s9  }
0x27: {  	s1 =	sld [smem:$0x3FAD]  }
0x28: {  	s2 =	sld [smem:$0x3FAE]  }
0x29: {  	s4 =	sld [smem:$0x3FB0]  }
0x2a: {  	p0 =	seq.s32 s5, $0x0;
	s5 =	sld [smem:$0x3FB1]  }
0x2b: {  	s6 =	sld [smem:$0x3FB2]  }
0x2c: {  	s7 =	sld [smem:$0x3FB3]  }
0x2d: {  	s3 =	simm.s32 $0x108;
	s8 =	sld [smem:$0x3FB4]  }
0x2e: {  	s3 =	simm.s32 @!p0 $0x1082;
	s9 =	sld [smem:$0x3FB5]  }
0x2f: {  	lr =	sadd.s32 s0, s3;
	s0 =	sld [smem:$0x3FAC]  }
0x30: {  	s3 =	sld [smem:$0x3FAF]  }
0x31: {  	[smem:$0x3FB8] =	sst s10  }
0x32: {  	s10 =	sld [smem:$0x3FB6];
	_ =	sdelay $0x3  }
0x33: {  	p0 =	seq.s32 s10, $0x1;
	s10 =	sld [smem:$0x3FB8];
	_ =	sdelay $0x3  }
0x34: {  	[smem:$0x3FB8] =	sst s10  }
0x35: {  	s10 =	sld [smem:$0x3FB7];
	_ =	sdelay $0x3  }
0x36: {  	p1 =	seq.s32 s10, $0x1;
	s10 =	sld [smem:$0x3FB8];
	_ =	sdelay $0x3  }
0x37: {  	[smem:$0x3FB8] =	sst s10  }
0x38: {  	s10 =	sld [smem:$0x3FB9]  }
0x39: {  	_ = 	snop;
	(pc) =	sbr.ind lr, $3  }
0x3a: {  	_ = 	snop  }
0x3b: {  	_ = 	snop  }
0x3c: {  	p2 =	seq.s32 s10, $0x1;
	s10 =	sld [smem:$0x3FB8]  }
0x3d: {  	_ =	shalt  }
0x3e: {  	_ =	shalt  }
0x3f: {  	_ =	shalt  }
0x40: {  	_ =	shalt  }
0x41: {  	_ =	shalt  }
0x42: {  	_ =	shalt  }
0x43: {  	_ =	shalt  }
0x44: {  	_ =	shalt  }
0x45: {  	_ =	shalt  }
0x46: {  	_ =	shalt  }
0x47: {  	_ =	shalt  }
0x48: {  	_ =	shalt  }
0x49: {  	_ =	shalt  }
0x4a: {  	_ =	shalt  }
0x4b: {  	_ =	shalt  }
0x4c: {  	_ =	shalt  }
0x4d: {  	_ =	shalt  }
0x4e: {  	_ =	shalt  }
0x4f: {  	_ =	shalt  }
0x50: {  	_ =	shalt  }
0x51: {  	_ =	shalt  }
0x52: {  	_ =	shalt  }
0x53: {  	_ =	shalt  }
0x54: {  	_ =	shalt  }
0x55: {  	_ =	shalt  }
0x56: {  	_ =	shalt  }
0x57: {  	_ =	shalt  }
0x58: {  	_ =	shalt  }
0x59: {  	_ =	shalt  }
0x5a: {  	_ =	shalt  }
0x5b: {  	_ =	shalt  }
0x5c: {  	_ =	shalt  }
0x5d: {  	_ =	shalt  }
0x5e: {  	_ =	shalt  }
0x5f: {  	_ =	shalt  }
0x60: {  	_ =	shalt  }
0x61: {  	_ =	shalt  }
0x62: {  	_ =	shalt  }
0x63: {  	_ =	shalt  }
0x64: {  	_ =	shalt  }
0x65: {  	_ =	shalt  }
0x66: {  	_ =	shalt  }
0x67: {  	_ =	shalt  }
0x68: {  	_ =	shalt  }
0x69: {  	_ =	shalt  }
0x6a: {  	_ =	shalt  }
0x6b: {  	_ =	shalt  }
0x6c: {  	_ =	shalt  }
0x6d: {  	_ =	shalt  }
0x6e: {  	_ =	shalt  }
0x6f: {  	_ =	shalt  }
0x70: {  	_ =	shalt  }
0x71: {  	_ =	shalt  }
0x72: {  	_ =	shalt  }
0x73: {  	_ =	shalt  }
0x74: {  	_ =	shalt  }
0x75: {  	_ =	shalt  }
0x76: {  	_ =	shalt  }
0x77: {  	_ =	shalt  }
0x78: {  	_ =	shalt  }
0x79: {  	_ =	shalt  }
0x7a: {  	_ =	shalt  }
0x7b: {  	_ =	shalt  }
0x7c: {  	_ =	shalt  }
0x7d: {  	_ =	shalt  }
0x7e: {  	_ =	shalt  }
0x7f: {  	_ =	shalt  }
0x80: {  	_ =	shalt  }
0x81: {  	_ =	shalt  }
0x82: {  	_ =	shalt  }
0x83: {  	_ =	shalt  }
0x84: {  	_ =	shalt  }
0x85: {  	_ =	shalt  }
0x86: {  	_ =	shalt  }
0x87: {  	_ =	shalt  }
.Lfunc_end0:
.L_simem_size_0:
called_computation.1_lowered:
.L_overlay_start_0:
0x88: {  	s2 =	sld [smem:$0x3FD9]  }
0x89: {  	s3 =	sld [smem:$0x3FFE];
	_ =	sdelay $0x1  }
0x8a: {  	s1 =	srdreg.scid  }
0x8b: {  	s0 =	sand.u32 $0x1, s1  }
0x8c: {  	s17 =	sshll.u32 s0, $0xA;
	s2 =	sadd.s32 s3, s2  }
0x8d: {  	s2 =	sadd.s32 s2, s17  }
0x8e: {  	[smem:$0x3FC4] =	sst s2  }
0x8f: {  	_ = 	snop  }
0x90: {  	s2 =	sld [smem:$0x3FC9]  }
0x91: {  	s18 =	sld [smem:$0x3FD0];
	(tm) =	ssettm $0x1  }
0x92: {  	s4 =	sld [smem:$0x3FFB];
	_ =	sdelay $0x3  }
0x93: {  	_ =	strace s4  }
0x94: {  	s4 =	sld [smem:$0x3FFC];
	_ =	sdelay $0x3  }
0x95: {  	_ =	strace s4  }
0x96: {  	s4 =	sld [smem:$0x3FFD];
	_ =	sdelay $0x3  }
0x97: {  	_ =	strace s4  }
0x98: {  	_ =	strace $0x8FFFFFFF  }
0x99: {  	s19 =	sld [smem:$0x3FDB];
	_ =	sdelay $0x1  }
0x9a: {  	s5 =	simm.s32 $_scs_section_size  }
0x9b: {  	s6 =	simm.s32 $_size__tile_overlayer_lowered;
	s7 =	simm.s32 $_tile_overlayer_lowered  }
0x9c: {  	s22 =	simm.s32 $0x1BFF;
	s21 =	sshll.u32 s7, $0x1;
	s4 =	sadd.s32 s5, s19  }
0x9d: {  	s8 =	simm.s32 $0x0;
	s20 =	sshll.u32 s6, $0x1;
	s6 =	sadd.s32 s21, s4  }
0x9e: {  	[timem:s8], [sflag:s22] =	dma.local [hbm:s6], s20  }
0x9f: {  	_ =	swait.ge [sflag:s22], s20  }
0xa0: {  	s5 =	ssub.s32 $0x0, s20;
	[sflag:s22] =	ssyncset.done $0x0  }
0xa1: {  	[sflag:s22] =	ssyncadd.s32 s5;
	_ =	sdelay $0x1  }
0xa2: {  	s23 =	simm.s32 $0x1B8B  }
0xa3: {  	_ =	swait.ge [sflag:s23], $0x1  }
0xa4: {  	[sflag:s23] =	ssyncset.done $0x0  }
0xa5: {  	s25 =	simm.s32 $0x1B8E;
	s24 =	sld [smem:$0x3FFE];
	[sflag:s23] =	ssyncadd.s32 $0xFFFFFFFF  }
0xa6: {  	s26 =	simm.s32 $execute0_lowered;
	[smem:$0x3FD2] =	sst s25  }
0xa7: {  	s6 =	sshll.u32 s26, $0x1;
	_ =	strace $0x80000046;
	[dreg:$0x1] =	wrdreg $0xFFFFFFFF  }
0xa8: {  	s28 =	simm.s32 $_size_execute0_lowered;
	s4 =	sadd.s32 s4, s6;
	[dreg:$0x0] =	wrdreg $0x0  }
0xa9: {  	s6 =	sshll.u32 s28, $0x1;
	[dreg:$0x2] =	wrdreg s4  }
0xaa: {  	[dreg:$0x3] =	wrdreg s6  }
0xab: {  	[dreg:$0x4] =	wrdreg $0xC0  }
0xac: {  	_ =	task [dreg:s8], $0x5FFFF  }
0xad: {  	[dreg:$0x1] =	wrdreg $0xFFFFFFFF  }
0xae: {  	[dreg:$0x0] =	wrdreg $0x60  }
0xaf: {  	[dreg:$0x2] =	wrdreg s2  }
0xb0: {  	[dreg:$0x3] =	wrdreg s18  }
0xb1: {  	[dreg:$0x4] =	wrdreg s24  }
0xb2: {  	[dreg:$0x5] =	wrdreg $0x9  }
0xb3: {  	_ =	task.clear_ibuf [dreg:s8], $0x6FFFF;
	_ =	strace $0x90000046  }
0xb4: {  	s29 =	simm.s32 $0x9;
	_ =	strace $0x80000048  }
0xb5: {  	_ =	swait.ge [sflag:s29], $0x1  }
0xb6: {  	[sflag:s29] =	ssyncadd.s32 $0xFFFFFFFF  }
0xb7: {  	_ =	strace $0x90000048  }
0xb8: {  	_ =	sfence  }
0xb9: {  	s30 =	sld [smem:$0x0];
	_ =	sdelay $0x2  }
0xba: {  	s31 =	sshll.u32 s1, $0xD;
	s1 =	sshrl.u32 s1, $0x2  }
0xbb: {  	s3 =	sand.u32 $0x4000, s31;
	s1 =	sadd.s32 s1, s30  }
0xbc: {  	s0 =	sor.u32 s3, s0;
	s1 =	sshll.u32 s1, $0x11  }
0xbd: {  	s0 =	sor.u32 s1, s0  }
0xbe: {  	s0 =	sadd.s32 $0x8F2B, s0  }
0xbf: {  	[sflag:s0] =	ssyncadd.remote.s32 $0x1  }
0xc0: {  	_ =	sfence.sel $0xFFFF  }
0xc1: {  	[dreg:$0x0] =	wrdreg $0xFFFFFFFF;
	(pc) =	sbr.abs _section_cstart, $3  }
0xc2: {  	[dreg:$0x1] =	wrdreg $0xFFFFFFFF  }
0xc3: {  	_ =	task.clear_ibuf [dreg:s8], $0x2FFFF;
	_ =	strace $0x9FFFFFFF  }
0xc4: {  	(tm) =	ssettm $0x7FFFFFFF  }
0xc5: {  	_ =	shalt  }
tec
execute0_lowered:
.L_overlay_start_1:
0x0: {  	(tag) =	ssettag $0x1  }
0x1: {  	s1 =	rddreg [dreg:$0x0]  }
0x2: {  	s4 =	rddreg [dreg:$0x1]  }
0x3: {  	s2 =	srdreg.scid;
	s0 =	stileid.u32  }
0x4: {  	s5 =	rddreg [dreg:$0x2];
	s3 =	simm.s32 $0x0;
	s13 =	simm.s32 $0x4F80  }
0x5: {  	s14 =	simm.s32 $0x1;
	s15 =	simm.s32 $0x2;
	s16 =	simm.s32 $0x26C0  }
0x6: {  	s7 =	sand.u32 $0x1, s2;
	s6 =	sshll.u32 s0, $0x1;
	s29 =	smul.u32 $0x4E200, s0  }
0x7: {  	s2 =	rddreg [dreg:$0x3];
	s6 =	sor.u32 s7, s6;
	s31 =	smul.u32 $0x27100, s7  }
0x8: {  	s17 =	simm.s32 $0x0;
	[smem:$0x7FF] =	sst s3;
	s9 =	smul.u32 $0x138800, s6  }
0x9: {  	s12 =	sadd.s32 $0xF200, s5;
	s8 =	ssub.s32 $0x2, s7;
	s11 =	smul.u32 $0x2710, s6  }
0xa: {  	_ =	strace $0x80000047;
	s10 =	sshrl.u32 s8, $0x1;
	s28 =	smul.u32 $0x27100, s6  }
0xb: {  	s8 =	ssub.s32 s8, s10;
	s10 =	simm.s32 $0x3;
	s25 =	sshrl.u32 s9, $0x3  }
0xc: {  	s26 =	sshrl.u32 s11, $0x3;
	s6 =	smax.u32 s8, $0x1;
	s30 =	sadd.s32 s12, s28  }
0xd: {  	s9 =	sadd.s32 s29, s12;
	s11 =	simm.s32 $0x50;
	s5 =	sadd.s32 s12, s25  }
0xe: {  	s4 =	sadd.s32 s4, s26;
	s7 =	sadd.s32 $0x26200, s30;
	s8 =	sadd.s32 $0x26700, s30  }
0xf: {  	s9 =	sadd.s32 s31, s9;
	s12 =	simm.s32 $0x2780;
	s5 =	sadd.s32 $0x26C00, s5  }
.LBB2_1:
0x10: {  	[tilespmem:s3], [sflag:$0x3] =	stream.linear.gather [hbm4b:s4+s3], $0x2710, $0x38;
	[tilespmem:$0x7780] =	vst v63  }
0x11: {  	_ =	swait.ge [sflag:s10], $0x2710  }
0x12: {  	[sflag:s10] =	ssyncset.done $0x0  }
0x13: {  	[sflag:s10] =	ssyncadd.s32 $0xFFFFD8F0  }
0x14: {  	[tilespmem:s12], [sflag:$0x1] =	stream.indirect.gather [hbm4b:s1+s11], $0x80, s3, s11, $0xb8;
	[tilespmem:$0x7780] =	vst v63  }
0x15: {  	_ = 	snop  }
0x16: {  	[tilespmem:s13], [sflag:$0x2] =	stream.indirect.gather [hbm4b:s1+s11], $0x80, s11, s11, $0xb8;
	[tilespmem:$0x7780] =	vst v63  }
0x17: {  	_ =	swait.ge [sflag:s14], $0x2800  }
0x18: {  	[sflag:s14] =	ssyncset.done $0x0  }
0x19: {  	s18 =	sadd.s32 $0x0, s9;
	[sflag:s14] =	ssyncadd.s32 $0xFFFFD800  }
0x1a: {  	[hbm4b:s18+s3] =	stream.linear.scatter [tilespmem:s12], [sflag:$0x3], $0x2800, $0x38;
	[tilespmem:$0x7780] =	vst v63  }
0x1b: {  	_ =	swait.ge [sflag:s10], $0x2800  }
0x1c: {  	[sflag:s10] =	ssyncset.done $0x0  }
0x1d: {  	s19 =	simm.s32 $0xA0;
	[sflag:s10] =	ssyncadd.s32 $0xFFFFD800  }
0x1e: {  	[tilespmem:s12], [sflag:$0x1] =	stream.indirect.gather [hbm4b:s1+s11], $0x80, s19, s11, $0xb8;
	[tilespmem:$0x7780] =	vst v63  }
0x1f: {  	_ =	swait.ge [sflag:s15], $0x2800  }
0x20: {  	[sflag:s15] =	ssyncset.done $0x0  }
0x21: {  	s18 =	sadd.s32 $0x500, s18;
	[sflag:s15] =	ssyncadd.s32 $0xFFFFD800  }
0x22: {  	[hbm4b:s18+s3] =	stream.linear.scatter [tilespmem:s13], [sflag:$0x3], $0x2800, $0x38;
	[tilespmem:$0x7780] =	vst v63  }
0x23: {  	_ =	swait.ge [sflag:s10], $0x2800  }
0x24: {  	s20 =	simm.s32 $0x190;
	[sflag:s10] =	ssyncset.done $0x0  }
0x25: {  	s19 =	simm.s32 $0xA00;
	s18 =	simm.s32 $0xF0;
	[sflag:s10] =	ssyncadd.s32 $0xFFFFD800  }
.LBB2_2:
0x26: {  	[tilespmem:s13], [sflag:$0x2] =	stream.indirect.gather [hbm4b:s1+s11], $0x80, s18, s11, $0xb8;
	[tilespmem:$0x7780] =	vst v63  }
0x27: {  	s21 =	smov.u32 s19;
	s18 =	smov.u32 s20  }
0x28: {  	p0 =	sne.s32 s19, $0x25800;
	s19 =	sadd.s32 $0xA00, s19;
	_ =	swait.ge [sflag:s14], $0x2800  }
0x29: {  	[sflag:s14] =	ssyncset.done $0x0  }
0x2a: {  	s21 =	sadd.s32 s21, s9;
	[sflag:s14] =	ssyncadd.s32 $0xFFFFD800  }
0x2b: {  	[hbm4b:s21+s3] =	stream.linear.scatter [tilespmem:s12], [sflag:$0x3], $0x2800, $0x38;
	[tilespmem:$0x7780] =	vst v63  }
0x2c: {  	_ =	swait.ge [sflag:s10], $0x2800  }
0x2d: {  	[sflag:s10] =	ssyncset.done $0x0  }
0x2e: {  	s22 =	sadd.s32 $0xFFFFFFB0, s20;
	[sflag:s10] =	ssyncadd.s32 $0xFFFFD800  }
0x2f: {  	[tilespmem:s12], [sflag:$0x1] =	stream.indirect.gather [hbm4b:s1+s11], $0x80, s22, s11, $0xb8;
	[tilespmem:$0x7780] =	vst v63  }
0x30: {  	_ =	swait.ge [sflag:s15], $0x2800  }
0x31: {  	[sflag:s15] =	ssyncset.done $0x0  }
.Ltmp0:
0x32: {  	s21 =	sadd.s32 $0x500, s21;
	[sflag:s15] =	ssyncadd.s32 $0xFFFFD800;
	(pc) =	sbr.rel @p0 .LBB2_2-.Ltmp0, $4  }
0x33: {  	[hbm4b:s21+s3] =	stream.linear.scatter [tilespmem:s13], [sflag:$0x3], $0x2800, $0x38;
	[tilespmem:$0x7780] =	vst v63  }
0x34: {  	_ =	swait.ge [sflag:s10], $0x2800  }
0x35: {  	[sflag:s10] =	ssyncset.done $0x0  }
0x36: {  	s20 =	sadd.s32 $0xA0, s20;
	[sflag:s10] =	ssyncadd.s32 $0xFFFFD800  }
0x37: {  	[tilespmem:s13], [sflag:$0x2] =	stream.indirect.gather [hbm4b:s1+s11], $0x80, s18, s11, $0xb8;
	[tilespmem:$0x7780] =	vst v63  }
0x38: {  	_ =	swait.ge [sflag:s14], $0x2800  }
0x39: {  	[sflag:s14] =	ssyncset.done $0x0  }
0x3a: {  	[sflag:s14] =	ssyncadd.s32 $0xFFFFD800  }
0x3b: {  	[hbm4b:s7+s3] =	stream.linear.scatter [tilespmem:s12], [sflag:$0x3], $0x2800, $0x38;
	[tilespmem:$0x7780] =	vst v63  }
0x3c: {  	_ =	swait.ge [sflag:s10], $0x2800  }
0x3d: {  	[sflag:s10] =	ssyncset.done $0x0  }
0x3e: {  	[sflag:s10] =	ssyncadd.s32 $0xFFFFD800  }
0x3f: {  	[tilespmem:s12], [sflag:$0x1] =	stream.indirect.gather [hbm4b:s1+s11], $0x80, s16, s11, $0xb8;
	[tilespmem:$0x7780] =	vst v63  }
0x40: {  	_ =	swait.ge [sflag:s15], $0x2800  }
0x41: {  	[sflag:s15] =	ssyncset.done $0x0  }
0x42: {  	[sflag:s15] =	ssyncadd.s32 $0xFFFFD800  }
0x43: {  	[hbm4b:s8+s3] =	stream.linear.scatter [tilespmem:s13], [sflag:$0x3], $0x2800, $0x38;
	[tilespmem:$0x7780] =	vst v63  }
0x44: {  	_ =	swait.ge [sflag:s10], $0x2800  }
0x45: {  	[sflag:s10] =	ssyncset.done $0x0  }
0x46: {  	[sflag:s10] =	ssyncadd.s32 $0xFFFFD800  }
0x47: {  	s17 =	sadd.s32 $0x1, s17;
	_ =	swait.ge [sflag:s14], $0x2800  }
0x48: {  	p0 =	sne.s32 s17, s6;
	[sflag:s14] =	ssyncset.done $0x0  }
.Ltmp1:
0x49: {  	[sflag:s14] =	ssyncadd.s32 $0xFFFFD800;
	(pc) =	sbr.rel @p0 .LBB2_1-.Ltmp1, $4  }
0x4a: {  	[hbm4b:s5+s3] =	stream.linear.scatter [tilespmem:s12], [sflag:$0x3], $0x2800, $0x38;
	[tilespmem:$0x7780] =	vst v63  }
0x4b: {  	_ =	swait.ge [sflag:s10], $0x2800  }
0x4c: {  	[sflag:s10] =	ssyncset.done $0x0  }
0x4d: {  	[sflag:s10] =	ssyncadd.s32 $0xFFFFD800  }
0x4e: {  	_ =	sfence.sel $0x180000  }
0x4f: {  	[bflag:$0x0] =	sbarrier.arrive $0xFFFF  }
0x50: {  	p0 =	sne.s32 s0, $0x0;
	_ =	strace $0x90000047  }
0x51: {  	s0 =	sadd.s32 @!p0 $0x100000, s2;
	[bflag:$0x2] =	sbarrier.arrive $0xFFFF  }
0x52: {  	[sflag:s0] =	ssyncadd.tile.s32 @!p0 $0x1;
	_ =	shalt  }
.Lfunc_end2:
_tile_overlayer_lowered:
.L_overlay_start_2:
0x53: {  	(tag) =	ssettag $0x2  }
0x54: {  	s0 =	rddreg [dreg:$0x0];
	s2 =	stileid.u32  }
0x55: {  	s1 =	rddreg [dreg:$0x1];
	p0 =	sne.s32 s2, $0x0  }
0x56: {  	s3 =	rddreg [dreg:$0x2];
	[bflag:$0x3] =	sbarrier.arrive $0xFFFF;
	s2 =	simm.s32 @!p0 $0x1C03  }
0x57: {  	[timem:s3], [sflag:s2] =	dma.local @!p0 [hbm:s0], s1  }
0x58: {  	s0 =	simm.s32 @!p0 $0x3  }
0x59: {  	_ =	swait.ge @!p0 [sflag:s0], s1  }
0x5a: {  	s1 =	ssub.s32 @!p0 $0x0, s1;
	[sflag:s0] =	ssyncset.done @!p0 $0x0  }
0x5b: {  	[sflag:s0] =	ssyncadd.s32 @!p0 s1  }
0x5c: {  	[bflag:$0x3] =	sbarrier.arrive $0xFFFF  }
0x5d: {  	_ =	shalt  }

// kernel: sparse-core-data-format-call.cloned.1.call-start
scs
called_computation_lowered:
.L_overlay_start_0:
0x0: {  	s2 =	sld [smem:$0x3FD9]  }
0x1: {  	s3 =	sld [smem:$0x3FFE];
	_ =	sdelay $0x1  }
0x2: {  	s1 =	srdreg.scid  }
0x3: {  	s0 =	sand.u32 $0x1, s1  }
0x4: {  	s18 =	sshll.u32 s0, $0xA;
	s2 =	sadd.s32 s3, s2  }
0x5: {  	s2 =	sadd.s32 s2, s18  }
0x6: {  	[smem:$0x3FC4] =	sst s2  }
0x7: {  	_ = 	snop  }
0x8: {  	s2 =	sld [smem:$0x3FD0];
	(tm) =	ssettm $0x1  }
0x9: {  	s19 =	sld [smem:$0x3FFB];
	_ =	sdelay $0x3  }
0xa: {  	_ =	strace s19  }
0xb: {  	s3 =	sld [smem:$0x3FFC];
	_ =	sdelay $0x3  }
0xc: {  	_ =	strace s3  }
0xd: {  	s3 =	sld [smem:$0x3FFD];
	_ =	sdelay $0x3  }
0xe: {  	_ =	strace s3  }
0xf: {  	_ =	strace $0x8FFFFFFF  }
0x10: {  	s20 =	sld [smem:$0x3FDB];
	_ =	sdelay $0x1  }
0x11: {  	s4 =	simm.s32 $_scs_section_size  }
0x12: {  	s5 =	simm.s32 $_size__tile_overlayer_lowered;
	s6 =	simm.s32 $_tile_overlayer_lowered  }
0x13: {  	s23 =	simm.s32 $0x1BFF;
	s22 =	sshll.u32 s6, $0x1;
	s3 =	sadd.s32 s4, s20  }
0x14: {  	s7 =	simm.s32 $0x0;
	s21 =	sshll.u32 s5, $0x1;
	s5 =	sadd.s32 s22, s3  }
0x15: {  	[timem:s7], [sflag:s23] =	dma.local [hbm:s5], s21  }
0x16: {  	_ =	swait.ge [sflag:s23], s21  }
0x17: {  	s4 =	ssub.s32 $0x0, s21;
	[sflag:s23] =	ssyncset.done $0x0  }
0x18: {  	[sflag:s23] =	ssyncadd.s32 s4;
	_ =	sdelay $0x1  }
0x19: {  	s24 =	simm.s32 $0x1B8B  }
0x1a: {  	_ =	swait.ge [sflag:s24], $0x1  }
0x1b: {  	[sflag:s24] =	ssyncset.done $0x0  }
0x1c: {  	s26 =	simm.s32 $0x1B8E;
	s25 =	sld [smem:$0x3FFE];
	[sflag:s24] =	ssyncadd.s32 $0xFFFFFFFF  }
0x1d: {  	s27 =	simm.s32 $execute0_lowered;
	[smem:$0x3FD2] =	sst s26  }
0x1e: {  	s5 =	sshll.u32 s27, $0x1;
	_ =	strace $0x80000049;
	[dreg:$0x1] =	wrdreg $0xFFFFFFFF  }
0x1f: {  	s28 =	simm.s32 $_size_execute0_lowered;
	s3 =	sadd.s32 s3, s5;
	[dreg:$0x0] =	wrdreg $0x0  }
0x20: {  	s5 =	sshll.u32 s28, $0x1;
	[dreg:$0x2] =	wrdreg s3  }
0x21: {  	[dreg:$0x3] =	wrdreg s5  }
0x22: {  	[dreg:$0x4] =	wrdreg $0xC0  }
0x23: {  	_ =	task [dreg:s7], $0x5FFFF  }
0x24: {  	[dreg:$0x1] =	wrdreg $0xFFFFFFFF  }
0x25: {  	[dreg:$0x0] =	wrdreg $0x60  }
0x26: {  	[dreg:$0x2] =	wrdreg s25  }
0x27: {  	[dreg:$0x3] =	wrdreg s2  }
0x28: {  	[dreg:$0x4] =	wrdreg $0x9  }
0x29: {  	_ =	task.clear_ibuf [dreg:s7], $0x5FFFF;
	_ =	strace $0x90000049  }
0x2a: {  	s29 =	simm.s32 $0x9;
	_ =	strace $0x8000004B  }
0x2b: {  	_ =	swait.ge [sflag:s29], $0x1  }
0x2c: {  	[sflag:s29] =	ssyncadd.s32 $0xFFFFFFFF  }
0x2d: {  	_ =	strace $0x9000004B  }
0x2e: {  	_ =	sfence  }
0x2f: {  	s30 =	sld [smem:$0x0];
	_ =	sdelay $0x2  }
0x30: {  	s31 =	sshll.u32 s1, $0xD;
	s1 =	sshrl.u32 s1, $0x2  }
0x31: {  	s3 =	sand.u32 $0x4000, s31;
	s1 =	sadd.s32 s1, s30  }
0x32: {  	s0 =	sor.u32 s3, s0;
	s1 =	sshll.u32 s1, $0x11  }
0x33: {  	s0 =	sor.u32 s1, s0  }
0x34: {  	s0 =	sadd.s32 $0x8F2B, s0  }
0x35: {  	[sflag:s0] =	ssyncadd.remote.s32 $0x1  }
0x36: {  	_ =	sfence.sel $0xFFFF  }
0x37: {  	[dreg:$0x0] =	wrdreg $0xFFFFFFFF;
	(pc) =	sbr.abs _section_cstart, $3  }
0x38: {  	[dreg:$0x1] =	wrdreg $0xFFFFFFFF  }
0x39: {  	_ =	task.clear_ibuf [dreg:s7], $0x2FFFF;
	_ =	strace $0x9FFFFFFF  }
0x3a: {  	(tm) =	ssettm $0x7FFFFFFF  }
0x3b: {  	_ =	shalt  }
tec
execute0_lowered:
.L_overlay_start_1:
0x0: {  	(tag) =	ssettag $0x1  }
0x1: {  	s5 =	rddreg [dreg:$0x0]  }
0x2: {  	s0 =	srdreg.scid;
	s3 =	rddreg [dreg:$0x1]  }
0x3: {  	s31 =	simm.s32 $0x2;
	s15 =	simm.s32 $0x0;
	s1 =	sshll.u32 s0, $0x4  }
0x4: {  	p0 =	por $0x0, $0x0;
	s0 =	stileid.u32;
	s1 =	sand.u32 $0x10, s1  }
0x5: {  	s8 =	simm.s32 $0x4800;
	s14 =	simm.s32 $0x0;
	s1 =	sor.u32 s0, s1  }
0x6: {  	s9 =	simm.s32 $0x0;
	s10 =	simm.s32 $0x0;
	s2 =	sshll.u32 s1, $0x7  }
.Ltmp0:
0x7: {  	s12 =	simm.s32 $0x0;
	s4 =	ssub.s32 $0x2700, s2;
	(pc) =	sbr.rel .LBB1_1-.Ltmp0, $4  }
0x8: {  	s13 =	simm.s32 $0x0;
	s1 =	rddreg [dreg:$0x2];
	s6 =	sshrl.u32 s4, $0xC  }
0x9: {  	_ =	strace $0x8000004A;
	s4 =	simm.s32 $0x1;
	s7 =	smul.u32 $0x12, s6  }
0xa: {  	s5 =	sadd.s32 $0x36F200, s5;
	s11 =	smov.u32 s2;
	[sflag:s4] =	ssyncpa.u1 $0x0  }
0xb: {  	[sflag:s31] =	ssyncpa.u1 $0x0;
	s6 =	sadd.s32 $0x12, s7;
	s7 =	sadd.s32 $0x13, s7  }
.LBB1_5:
0xc: {  	p1 =	slt.u32 s13, $0x2  }
0xd: {  	s17 =	smov.u32 s15;
	p2 =	sgt.s32 @!p1 s15, $0x2690;
	s16 =	sshra.s32 @!p1 s15, $0x1F  }
0xe: {  	p3 =	sgt.s32 @!p1 s14, $0x880;
	s18 =	sshra.s32 @!p1 s14, $0x1F;
	p2 =	por !p2, p1  }
0xf: {  	s15 =	sand.u32 @!p1 s16, s15;
	p3 =	por !p3, p1;
	s16 =	smov.u32 s14  }
0x10: {  	s14 =	sand.u32 @!p1 s18, s14;
	s17 =	simm.s32 @p2 $0x2690;
	s16 =	simm.s32 @p3 $0x880  }
0x11: {  	s15 =	ssub.s32 @!p1 s17, s15;
	s14 =	ssub.s32 @!p1 s16, s14  }
0x12: {  	s18 =	smov.u32 s12;
	s16 =	sadd.s32 @!p1 $0xFFFFD970, s15;
	s17 =	sadd.s32 @!p1 $0xFFFFF780, s14  }
0x13: {  	s15 =	ssub.s32 @!p1 $0x2710, s15;
	p2 =	sgt.s32 @!p1 s16, $0x7F;
	p3 =	sgt.s32 @!p1 s17, $0x7F  }
0x14: {  	s14 =	ssub.s32 @!p1 $0x900, s14;
	p2 =	por !p2, p1;
	p3 =	por !p3, p1  }
0x15: {  	s16 =	sadd.s32 $0x1000, s11;
	s15 =	simm.s32 @!p2 $0x0;
	s14 =	simm.s32 @!p3 $0x0  }
0x16: {  	p2 =	sgt.s32 s16, $0x270F;
	s14 =	smul.u32 @!p1 s14, s15;
	s15 =	sadd.s32 $0x80, s12  }
0x17: {  	s18 =	smov.u32 @p2 s15  }
0x18: {  	s16 =	smov.u32 @p2 s2;
	p2 =	sgt.s32 s18, $0x8FF  }
0x19: {  	s18 =	simm.s32 @p2 $0x0;
	p2 =	sne.s32 s13, s7  }
.Ltmp1:
0x1a: {  	p0 =	por !p0, !p0;
	s17 =	simm.s32 @!p1 $0x2;
	(pc) =	sbr.rel @!p2 .LBB1_6-.Ltmp1, $4  }
0x1b: {  	s15 =	smov.u32 s9;
	s9 =	smov.u32 s11;
	s14 =	sand.u32 @!p1 $0x3FFFFFFF, s14  }
0x1c: {  	s11 =	smov.u32 s16;
	_ =	swait.ge @!p1 [sflag:s17], s14;
	s19 =	ssub.s32 @!p1 $0x0, s14  }
0x1d: {  	s14 =	smov.u32 s10;
	s13 =	sadd.s32 $0x1, s13;
	[sflag:s17] =	ssyncset.done @!p1 $0x0  }
0x1e: {  	s10 =	smov.u32 s12;
	s12 =	smov.u32 s18;
	[sflag:s17] =	ssyncadd.s32 @!p1 s19  }
.LBB1_1:
0x1f: {  	p1 =	sge.u32 s13, s6  }
0x20: {  	s16 =	sshrl.u32 @!p1 s12, $0x3  }
0x21: {  	s17 =	sshll.u32 @!p1 s11, $0x3;
	s16 =	smul.u32 @!p1 $0x13C00, s16  }
0x22: {  	s18 =	sshll.u32 @!p1 s12, $0x7;
	s17 =	sand.u32 @!p1 $0xFFFFFC00, s17  }
0x23: {  	s16 =	sadd.s32 @!p1 s16, s17;
	s17 =	sand.u32 @!p1 $0x380, s18  }
0x24: {  	s18 =	sand.u32 @!p1 $0x7F, s11;
	s16 =	sor.u32 @!p1 s17, s16  }
0x25: {  	s17 =	sor.u32 @!p1 s18, s16;
	s16 =	smulhi.u32 @!p1 $0xCF6474A9, s16  }
0x26: {  	s18 =	smulhi.u32 @!p1 $0xCF6474A9, s17  }
0x27: {  	s16 =	sshrl.u32 @!p1 s16, $0xD  }
0x28: {  	s18 =	sshrl.u32 @!p1 s18, $0xD;
	s19 =	smulhi.u32 @!p1 $0x1C71C8, s16  }
0x29: {  	s18 =	smul.u32 @!p1 $0x2780, s18  }
0x2a: {  	s19 =	smul.u32 @!p1 $0x900, s19  }
0x2b: {  	s20 =	sxor.u32 @!p1 $0xFFFFFFFF, s13  }
0x2c: {  	s17 =	ssub.s32 @!p1 s17, s18;
	s18 =	sshll.u32 @!p1 s20, $0xE;
	s16 =	ssub.s32 @!p1 s16, s19  }
0x2d: {  	s19 =	sshrl.u32 @!p1 s17, $0x3;
	s17 =	sand.u32 @!p1 $0x7, s17;
	s16 =	smul.u32 @!p1 $0x4F0, s16  }
0x2e: {  	s18 =	sand.u32 @!p1 $0x4000, s18;
	s19 =	sadd.s32 @!p1 s5, s19;
	s17 =	sshll.u32 @!p1 s17, $0x12  }
0x2f: {  	s17 =	sor.u32 @!p1 $0x400, s17;
	s16 =	sadd.s32 @!p1 s16, s19;
	s19 =	simm.s32 @!p1 $0x13C00  }
0x30: {  	[tilespmem:s18], [sflag:$0x1] =	stream.strided.gather @!p1 [hbm4b:s16+s17], $0x4000, s19, s17, $0x38;
	[tilespmem:$0x10100] =	vst v63  }
0x31: {  	p1 =	seq.s32 s13, $0x0  }
0x32: {  	p2 =	sge.u32 @!p1 s13, s7  }
0x33: {  	p1 =	por p1, p2  }
.Ltmp2:
0x34: {  	_ = 	snop;
	(pc) =	sbr.rel @p1 .LBB1_5-.Ltmp2, $1  }
0x35: {  	_ =	sdelay $0x3  }
0x36: {  	s16 =	simm.s32 $0x1  }
0x37: {  	_ =	swait.ge [sflag:s4], $0x4000;
	s16 =	simm.s32 @!p0 $0x0  }
0x38: {  	[sflag:s4] =	ssyncset.done $0x0;
	s17 =	sshll.u32 s16, $0xE  }
0x39: {  	[sflag:s4] =	ssyncadd.s32 $0xFFFFC000;
	s17 =	sor.u32 $0x40, s17  }
0x3a: {  	s16 =	smul.u32 $0x10200, s16;
	v0 =	vld [tilespmem:s17+$0x30]  }
0x3b: {  	v1 =	vld [tilespmem:s17+$0xFFFFFFD0]  }
0x3c: {  	s16 =	sshrl.u32 s16, $0x2;
	v5 =	vld [tilespmem:s17+$0xFFFFFFE0]  }
0x3d: {  	v6 =	vld [tilespmem:s17+$0xFFFFFFF0];
	s19 =	sor.u32 $0x8000, s16  }
0x3e: {  	s31 =	sand.u32 $0x1, s13;
	v4 =	vld [tilespmem:s17+$0x0];
	s18 =	sadd.s32 $0x0, s19  }
0x3f: {  	v3 =	vld [tilespmem:s17+$0x10];
	s16 =	smul.u32 $0x10200, s31;
	[tilespmem:s18+$0x3870 ss:$0x81] =	vst.msk $0xffff, v0  }
0x40: {  	v2 =	vld [tilespmem:s17+$0x20];
	[tilespmem:s18+$0x810 ss:$0x81] =	vst.msk $0xffff, v1  }
0x41: {  	s16 =	sshrl.u32 s16, $0x2;
	v0 =	vld [tilespmem:s17+$0xFFFFFFC0];
	[tilespmem:s18+$0x1020 ss:$0x81] =	vst.msk $0xffff, v5;
	s17 =	sadd.s32 $0x80, s17  }
0x42: {  	s20 =	simm.s32 $0x4;
	s21 =	simm.s32 $0x8;
	s16 =	sor.u32 $0x8000, s16;
	[tilespmem:s18+$0x1830 ss:$0x81] =	vst.msk $0xffff, v6;
	v1 =	vld [tilespmem:s17+$0x30]  }
.LBB1_3:
0x43: {  	p1 =	sne.s32 s21, $0x1FC;
	v5 =	vld [tilespmem:s17+$0xFFFFFFD0];
	[tilespmem:s18+$0x2040 ss:$0x81] =	vst.msk $0xffff, v4  }
0x44: {  	v6 =	vld [tilespmem:s17+$0xFFFFFFE0];
	[tilespmem:s18+$0x2850 ss:$0x81] =	vst.msk $0xffff, v3  }
0x45: {  	s22 =	sshra.s32 s20, $0x2;
	s20 =	smov.u32 s21;
	v7 =	vld [tilespmem:s17+$0xFFFFFFF0];
	[tilespmem:s18+$0x3060 ss:$0x81] =	vst.msk $0xffff, v2  }
.Ltmp3:
0x46: {  	v4 =	vld [tilespmem:s17+$0x0];
	[tilespmem:s18+$0x0 ss:$0x81] =	vst.msk $0xffff, v0;
	s18 =	sadd.s32 s22, s19;
	(pc) =	sbr.rel @p1 .LBB1_3-.Ltmp3, $4  }
0x47: {  	v3 =	vld [tilespmem:s17+$0x10];
	[tilespmem:s18+$0x3870 ss:$0x81] =	vst.msk $0xffff, v1  }
0x48: {  	[tilespmem:s18+$0x810 ss:$0x81] =	vst.msk $0xffff, v5;
	v2 =	vld [tilespmem:s17+$0x20]  }
0x49: {  	v0 =	vld [tilespmem:s17+$0xFFFFFFC0];
	[tilespmem:s18+$0x1020 ss:$0x81] =	vst.msk $0xffff, v6;
	s17 =	sadd.s32 $0x80, s17  }
0x4a: {  	s21 =	sadd.s32 $0x4, s21;
	v1 =	vld [tilespmem:s17+$0x30];
	[tilespmem:s18+$0x1830 ss:$0x81] =	vst.msk $0xffff, v7  }
0x4b: {  	s21 =	sshrl.u32 s9, $0x3  }
0x4c: {  	s22 =	sshll.u32 s10, $0x3;
	s23 =	sshll.u32 s9, $0x7;
	s20 =	sshra.s32 s20, $0x2  }
0x4d: {  	s29 =	sand.u32 $0x7F, s10;
	p1 =	sgt.s32 s9, $0x2690;
	s21 =	smul.u32 $0x4800, s21  }
0x4e: {  	s24 =	sshra.s32 s9, $0x1F;
	s25 =	sshra.s32 s10, $0x1F;
	s22 =	sand.u32 $0xFFFFFC00, s22  }
0x4f: {  	s28 =	sand.u32 $0x380, s23;
	s23 =	smov.u32 s9;
	s21 =	sadd.s32 s22, s21  }
0x50: {  	s24 =	sand.u32 s24, s9;
	s25 =	sand.u32 s25, s10;
	s21 =	sor.u32 s28, s21  }
0x51: {  	v5 =	vld [tilespmem:s17+$0xFFFFFFD0];
	s23 =	simm.s32 @!p1 $0x2690;
	s30 =	sor.u32 s29, s21;
	s21 =	smulhi.u32 $0x38E38E39, s21  }
0x52: {  	[tilespmem:s18+$0x2040 ss:$0x81] =	vst.msk $0xffff, v4;
	v58 =	vld [tilespmem:s17+$0xFFFFFFE0];
	p1 =	sgt.s32 s10, $0x880;
	s23 =	ssub.s32 s23, s24;
	s24 =	smov.u32 s10  }
0x53: {  	[tilespmem:s18+$0x2850 ss:$0x81] =	vst.msk $0xffff, v3;
	s24 =	simm.s32 @!p1 $0x880;
	s31 =	smulhi.u32 $0x38E38E39, s30;
	s21 =	sshrl.u32 s21, $0x9  }
0x54: {  	v59 =	vld [tilespmem:s17+$0xFFFFFFF0];
	[tilespmem:s18+$0x3060 ss:$0x81] =	vst.msk $0xffff, v2;
	s27 =	sadd.s32 $0xFFFFD970, s23;
	s24 =	ssub.s32 s24, s25;
	s26 =	smulhi.u32 $0x1A36E3, s21  }
0x55: {  	v60 =	vld [tilespmem:s17+$0x0];
	s19 =	sadd.s32 s20, s19;
	[tilespmem:s18+$0x0 ss:$0x81] =	vst.msk $0xffff, v0;
	p1 =	sgt.s32 s27, $0x7F;
	s28 =	sadd.s32 $0xFFFFF780, s24  }
0x56: {  	v61 =	vld [tilespmem:s17+$0x10];
	[tilespmem:s19+$0x3870 ss:$0x81] =	vst.msk $0xffff, v1;
	p2 =	sgt.s32 s28, $0x7F;
	s22 =	sshrl.u32 s31, $0x9;
	s18 =	sshrl.u32 s26, $0x2  }
0x57: {  	v62 =	vld [tilespmem:s17+$0x20];
	[tilespmem:s19+$0x810 ss:$0x81] =	vst.msk $0xffff, v5;
	s29 =	smul.u32 $0x2710, s18;
	s18 =	ssub.s32 $0x2710, s23;
	s23 =	ssub.s32 $0x900, s24  }
0x58: {  	v63 =	vld [tilespmem:s17+$0xFFFFFFC0];
	[tilespmem:s19+$0x1020 ss:$0x81] =	vst.msk $0xffff, v58;
	s22 =	smul.u32 $0x900, s22;
	s18 =	simm.s32 @p1 $0x0;
	s23 =	simm.s32 @p2 $0x0  }
0x59: {  	[tilespmem:s19+$0x1830 ss:$0x81] =	vst.msk $0xffff, v59;
	s18 =	smul.u32 s23, s18  }
.Ltmp4:
0x5a: {  	[tilespmem:s19+$0x2040 ss:$0x81] =	vst.msk $0xffff, v60;
	s20 =	ssub.s32 s30, s22;
	s17 =	ssub.s32 s21, s29;
	(pc) =	sbr.rel .LBB1_5-.Ltmp4, $4  }
0x5b: {  	[tilespmem:s19+$0x2850 ss:$0x81] =	vst.msk $0xffff, v61;
	s30 =	sshrl.u32 s20, $0x3;
	s20 =	sand.u32 $0x7, s20;
	s17 =	smul.u32 $0x120, s17  }
0x5c: {  	[tilespmem:s19+$0x3060 ss:$0x81] =	vst.msk $0xffff, v62;
	s21 =	sadd.s32 s3, s30;
	s20 =	sshll.u32 s20, $0x12  }
0x5d: {  	[tilespmem:s19+$0x0 ss:$0x81] =	vst.msk $0xffff, v63;
	s31 =	sor.u32 $0x400, s20;
	s18 =	sand.u32 $0x3FFFFFFF, s18;
	s17 =	sadd.s32 s17, s21  }
0x5e: {  	[hbm4b:s17+s31] =	stream.strided.scatter [tilespmem:s16], [sflag:$0x2], s18, s8, s31, $0x20;
	[tilespmem:$0x10100] =	vst v63  }
.LBB1_6:
0x5f: {  	_ =	sfence.sel $0x180000  }
0x60: {  	s2 =	simm.s32 $0x1;
	[bflag:$0x0] =	sbarrier.arrive $0xFFFF  }
0x61: {  	s31 =	simm.s32 $0x2;
	[sflag:s2] =	ssyncpa.u1 $0x1  }
0x62: {  	[sflag:s31] =	ssyncpa.u1 $0x1  }
0x63: {  	p0 =	sne.s32 s0, $0x0;
	_ =	strace $0x9000004A  }
0x64: {  	s0 =	sadd.s32 @!p0 $0x100000, s1;
	[bflag:$0x2] =	sbarrier.arrive $0xFFFF  }
0x65: {  	[sflag:s0] =	ssyncadd.tile.s32 @!p0 $0x1;
	_ =	shalt  }
.Lfunc_end1:
_tile_overlayer_lowered:
.L_overlay_start_2:
0x66: {  	(tag) =	ssettag $0x2  }
0x67: {  	s0 =	rddreg [dreg:$0x0];
	s2 =	stileid.u32  }
0x68: {  	s1 =	rddreg [dreg:$0x1];
	p0 =	sne.s32 s2, $0x0  }
0x69: {  	s3 =	rddreg [dreg:$0x2];
	[bflag:$0x3] =	sbarrier.arrive $0xFFFF;
	s2 =	simm.s32 @!p0 $0x1C01  }
0x6a: {  	[timem:s3], [sflag:s2] =	dma.local @!p0 [hbm:s0], s1  }
0x6b: {  	s0 =	simm.s32 @!p0 $0x1  }
0x6c: {  	_ =	swait.ge @!p0 [sflag:s0], s1  }
0x6d: {  	s1 =	ssub.s32 @!p0 $0x0, s1;
	[sflag:s0] =	ssyncset.done @!p0 $0x0  }
0x6e: {  	[sflag:s0] =	ssyncadd.s32 @!p0 s1  }
0x6f: {  	[bflag:$0x3] =	sbarrier.arrive $0xFFFF  }
0x70: {  	_ =	shalt  }

</sc_bundles>
